<compile_context>
chip_gen: v7x
topology: tpu7x:2x2x1
jax: 0.10.2.dev20260603
libtpu: 0.0.44.dev20260713+nightly
codegen_flags: <defaults>
</compile_context>

<pallas_src>
import jax
import jax.numpy as jnp
import numpy as np
from jax.experimental import pallas as pl
from jax.experimental.pallas import tpu as pltpu

N_TOP = 2000
N_PAD = 2048
IOU_THR = 0.7
IMG_H = 1024.0
IMG_W = 1024.0
MAX_RATIO = float(np.abs(np.log(16.0 / 1000.0)))
RB = 256


def _decode(x1, y1, x2, y2, dx, dy, dw, dh):
    px = (x1 + x2) * 0.5
    py = (y1 + y2) * 0.5
    pw = x2 - x1
    ph = y2 - y1
    dwc = jnp.clip(dw, -MAX_RATIO, MAX_RATIO)
    dhc = jnp.clip(dh, -MAX_RATIO, MAX_RATIO)
    gx = px + pw * dx
    gy = py + ph * dy
    gw = pw * jnp.exp(dwc)
    gh = ph * jnp.exp(dhc)
    nx1 = jnp.clip(gx - gw * 0.5, 0.0, IMG_W)
    ny1 = jnp.clip(gy - gh * 0.5, 0.0, IMG_H)
    nx2 = jnp.clip(gx + gw * 0.5, 0.0, IMG_W)
    ny2 = jnp.clip(gy + gh * 0.5, 0.0, IMG_H)
    return nx1, ny1, nx2, ny2


def _nms_kernel(at_ref, dt_ref, ac_ref, dc_ref, sc_ref, lvr_ref, lvc_ref,
                out_ref, s_ref, keep_ref):
    ar = at_ref[...]
    dr = dt_ref[...]
    x1r, y1r, x2r, y2r = _decode(ar[0:1], ar[1:2], ar[2:3], ar[3:4],
                                 dr[0:1], dr[1:2], dr[2:3], dr[3:4])
    ac = ac_ref[...]
    dc = dc_ref[...]
    x1c, y1c, x2c, y2c = _decode(ac[:, 0:1], ac[:, 1:2], ac[:, 2:3], ac[:, 3:4],
                                 dc[:, 0:1], dc[:, 1:2], dc[:, 2:3], dc[:, 3:4])

    mc = jnp.max(jnp.maximum(jnp.maximum(x1r, y1r), jnp.maximum(x2r, y2r)))
    off_r = lvr_ref[...] * (mc + 1.0)
    off_c = lvc_ref[...] * (mc + 1.0)

    bx1r = x1r + off_r
    by1r = y1r + off_r
    bx2r = x2r + off_r
    by2r = y2r + off_r
    bx1c = x1c + off_c
    by1c = y1c + off_c
    bx2c = x2c + off_c
    by2c = y2c + off_c
    area_r = (bx2r - bx1r) * (by2r - by1r)
    area_c = (bx2c - bx1c) * (by2c - by1c)

    for b in range(N_PAD // RB):
        rs = b * RB
        ltx = jnp.maximum(bx1c[rs:rs + RB, :], bx1r)
        lty = jnp.maximum(by1c[rs:rs + RB, :], by1r)
        rbx = jnp.minimum(bx2c[rs:rs + RB, :], bx2r)
        rby = jnp.minimum(by2c[rs:rs + RB, :], by2r)
        w = jnp.maximum(rbx - ltx, 0.0)
        h = jnp.maximum(rby - lty, 0.0)
        inter = w * h
        iou = inter / (area_c[rs:rs + RB, :] + area_r - inter + 1e-6)
        row_ids = jax.lax.broadcasted_iota(jnp.int32, (RB, N_PAD), 0) + rs
        col_ids = jax.lax.broadcasted_iota(jnp.int32, (RB, N_PAD), 1)
        s = (iou > IOU_THR) & (col_ids > row_ids)
        s_ref[rs:rs + RB, :] = s.astype(jnp.bfloat16)

    keep_ref[...] = jnp.ones((8, N_PAD), jnp.float32)

    def cond(c):
        return c[1]

    def body(c):
        it, _ = c
        k = keep_ref[...]
        v = jax.lax.dot_general(k.astype(jnp.bfloat16), s_ref[...],
                                (((1,), (0,)), ((), ())),
                                preferred_element_type=jnp.float32)
        k2 = (v == 0.0).astype(jnp.float32)
        changed = jnp.any(k2 != k)
        keep_ref[...] = k2
        return it + 1, changed

    jax.lax.while_loop(cond, body, (0, True))

    k1 = keep_ref[0:1, :]
    out_ref[...] = jnp.concatenate(
        [x1r * k1, y1r * k1, x2r * k1, y2r * k1, sc_ref[...] * k1,
         jnp.zeros((3, N_PAD), jnp.float32)], axis=0)


def kernel(anchors, deltas, scores, level_idxs):
    scores_top, inds = jax.lax.top_k(scores, N_TOP)
    a_top = jnp.take(anchors, inds, axis=0)
    d_top = jnp.take(deltas, inds, axis=0)
    l_top = jnp.take(level_idxs, inds, axis=0).astype(jnp.float32)
    pad = N_PAD - N_TOP
    ac = jnp.pad(a_top, ((0, pad), (0, 0)))
    dc = jnp.pad(d_top, ((0, pad), (0, 0)))
    sc = jnp.pad(scores_top, (0, pad))[None, :]
    lvr = jnp.pad(l_top, (0, pad))[None, :]
    out = pl.pallas_call(
        _nms_kernel,
        out_shape=jax.ShapeDtypeStruct((8, N_PAD), jnp.float32),
        scratch_shapes=[
            pltpu.VMEM((N_PAD, N_PAD), jnp.bfloat16),
            pltpu.VMEM((8, N_PAD), jnp.float32),
        ],
    )(ac.T, dc.T, ac, dc, sc, lvr, lvr.T)
    return out[:5, :N_TOP].T

# --- scband reference (transcript-rebuilt; emitter-appended) ---
"""Pipeline reference for scband-conv-next-mask-rcnnrpn-8873402434043 (READ-ONLY COPY).

The authoritative reference and input builder live on the scoring server;
editing this copy changes nothing except your own understanding.
"""

import jax, jax.numpy as jnp
import numpy as np

N = 20000
NMS_PRE = 2000
IOU_THR = 0.7
IMG_H = 1024.0
IMG_W = 1024.0
WH_RATIO_CLIP = 16.0 / 1000.0


def setup_inputs(seed: int = 0) -> dict:
    key = jax.random.key(seed)
    k1, k2, k3, k4, k5 = jax.random.split(key, 5)
    ctr = jax.random.uniform(k1, (N, 2)) * 1024.0
    wh = jax.random.uniform(k2, (N, 2)) * 128.0 + 16.0
    anchors = jnp.concatenate([ctr - wh * 0.5, ctr + wh * 0.5], axis=-1).astype(jnp.float32)
    deltas = (jax.random.normal(k3, (N, 4)) * 0.1).astype(jnp.float32)
    scores = jax.random.uniform(k4, (N,)).astype(jnp.float32)
    level_idxs = jax.random.randint(k5, (N,), 0, 5).astype(jnp.int32)
    return {"anchors": anchors, "deltas": deltas, "scores": scores, "level_idxs": level_idxs}


def delta2bbox(rois, deltas):
    pxy = (rois[:, :2] + rois[:, 2:]) * 0.5
    pwh = rois[:, 2:] - rois[:, :2]
    dxy = deltas[:, :2]
    dwh = deltas[:, 2:]
    max_ratio = float(np.abs(np.log(WH_RATIO_CLIP)))
    dwh = jnp.clip(dwh, -max_ratio, max_ratio)
    gxy = pxy + pwh * dxy
    gwh = pwh * jnp.exp(dwh)
    x1y1 = gxy - gwh * 0.5
    x2y2 = gxy + gwh * 0.5
    bboxes = jnp.concatenate([x1y1, x2y2], axis=-1)
    x = jnp.clip(bboxes[:, 0::2], 0.0, IMG_W)
    y = jnp.clip(bboxes[:, 1::2], 0.0, IMG_H)
    return jnp.stack([x[:, 0], y[:, 0], x[:, 1], y[:, 1]], axis=-1)


def iou_matrix(b):
    area = (b[:, 2] - b[:, 0]) * (b[:, 3] - b[:, 1])
    lt = jnp.maximum(b[:, None, :2], b[None, :, :2])
    rb = jnp.minimum(b[:, None, 2:], b[None, :, 2:])
    wh = jnp.clip(rb - lt, 0.0)
    inter = wh[..., 0] * wh[..., 1]
    return inter / (area[:, None] + area[None, :] - inter + 1e-6)


def reference(anchors, deltas, scores, level_idxs):
    boxes = delta2bbox(anchors, deltas)
    scores_top, inds = jax.lax.top_k(scores, NMS_PRE)
    boxes_top = jnp.take(boxes, inds, axis=0)
    idxs_top = jnp.take(level_idxs, inds, axis=0)
    max_coord = jnp.max(boxes_top)
    offsets = idxs_top.astype(boxes_top.dtype) * (max_coord + 1.0)
    boxes_nms = boxes_top + offsets[:, None]
    iou = iou_matrix(boxes_nms)
    n = NMS_PRE
    ar = jnp.arange(n)

    def body(i, keep):
        suppress = (iou[i] > IOU_THR) & (ar > i)
        return jnp.where(keep[i], keep & (~suppress), keep)

    keep = jax.lax.fori_loop(0, n, body, jnp.ones((n,), dtype=bool))
    dets = jnp.concatenate([boxes_top, scores_top[:, None]], axis=-1)
    dets = jnp.where(keep[:, None], dets, 0.0)
    return dets


if False:  # reference __main__ guard neutralized (emitter)
    out = reference(**setup_inputs())
    print(out.shape, out.dtype)

if __name__ == "__main__":
    import jax
    _d = setup_inputs()
    print(jax.jit(kernel)(*tuple(_d.values())))

</pallas_src>

<mosaic_0001>
module attributes {stable_mosaic.version = 14 : i64} {
  func.func @_nms_kernel(%arg0: memref<4x2048xf32, #tpu.memory_space<vmem>>, %arg1: memref<4x2048xf32, #tpu.memory_space<vmem>>, %arg2: memref<2048x4xf32, #tpu.memory_space<vmem>>, %arg3: memref<2048x4xf32, #tpu.memory_space<vmem>>, %arg4: memref<1x2048xf32, #tpu.memory_space<vmem>>, %arg5: memref<1x2048xf32, #tpu.memory_space<vmem>>, %arg6: memref<2048x1xf32, #tpu.memory_space<vmem>>, %arg7: memref<8x2048xf32, #tpu.memory_space<vmem>>, %arg8: memref<2048x2048xbf16, #tpu.memory_space<vmem>>, %arg9: memref<8x2048xf32, #tpu.memory_space<vmem>>) attributes {dimension_semantics = [], scalar_prefetch = 0 : i64, scratch_operands = 2 : i64, tpu.core_type = #tpu.core_type<tc>} {
    %get3A = arith.constant 0 : index
    %get3A_0 = arith.constant 0 : index
    %get3A_1 = vector.load %arg0[%get3A, %get3A_0] : memref<4x2048xf32, #tpu.memory_space<vmem>>, vector<4x2048xf32>
    %get3A_2 = arith.constant 0 : index
    %get3A_3 = arith.constant 0 : index
    %get3A_4 = vector.load %arg1[%get3A_2, %get3A_3] : memref<4x2048xf32, #tpu.memory_space<vmem>>, vector<4x2048xf32>
    %slice3A = vector.extract_strided_slice %get3A_1 {offsets = [0, 0], sizes = [1, 2048], strides = [1, 1]} : vector<4x2048xf32> to vector<1x2048xf32>
    %slice3A_5 = vector.extract_strided_slice %get3A_1 {offsets = [1, 0], sizes = [1, 2048], strides = [1, 1]} : vector<4x2048xf32> to vector<1x2048xf32>
    %slice3A_6 = vector.extract_strided_slice %get3A_1 {offsets = [2, 0], sizes = [1, 2048], strides = [1, 1]} : vector<4x2048xf32> to vector<1x2048xf32>
    %slice3A_7 = vector.extract_strided_slice %get3A_1 {offsets = [3, 0], sizes = [1, 2048], strides = [1, 1]} : vector<4x2048xf32> to vector<1x2048xf32>
    %slice3A_8 = vector.extract_strided_slice %get3A_4 {offsets = [0, 0], sizes = [1, 2048], strides = [1, 1]} : vector<4x2048xf32> to vector<1x2048xf32>
    %slice3A_9 = vector.extract_strided_slice %get3A_4 {offsets = [1, 0], sizes = [1, 2048], strides = [1, 1]} : vector<4x2048xf32> to vector<1x2048xf32>
    %slice3A_10 = vector.extract_strided_slice %get3A_4 {offsets = [2, 0], sizes = [1, 2048], strides = [1, 1]} : vector<4x2048xf32> to vector<1x2048xf32>
    %slice3A_11 = vector.extract_strided_slice %get3A_4 {offsets = [3, 0], sizes = [1, 2048], strides = [1, 1]} : vector<4x2048xf32> to vector<1x2048xf32>
    %add3A = arith.addf %slice3A, %slice3A_6 : vector<1x2048xf32>
    %mul3A = arith.constant 5.000000e-01 : f32
    %mul3A_12 = vector.broadcast %mul3A : f32 to vector<1x2048xf32>
    %mul3A_13 = arith.mulf %add3A, %mul3A_12 : vector<1x2048xf32>
    %add3A_14 = arith.addf %slice3A_5, %slice3A_7 : vector<1x2048xf32>
    %mul3A_15 = arith.constant 5.000000e-01 : f32
    %mul3A_16 = vector.broadcast %mul3A_15 : f32 to vector<1x2048xf32>
    %mul3A_17 = arith.mulf %add3A_14, %mul3A_16 : vector<1x2048xf32>
    %sub3A = arith.subf %slice3A_6, %slice3A : vector<1x2048xf32>
    %sub3A_18 = arith.subf %slice3A_7, %slice3A_5 : vector<1x2048xf32>
    %jit3A = arith.constant -4.13516665 : f32
    %jit3A_19 = arith.constant 4.13516665 : f32
    %max3A = vector.broadcast %jit3A : f32 to vector<1x2048xf32>
    %max3A_20 = arith.maximumf %max3A, %slice3A_10 : vector<1x2048xf32>
    %min3A = vector.broadcast %jit3A_19 : f32 to vector<1x2048xf32>
    %min3A_21 = arith.minimumf %min3A, %max3A_20 : vector<1x2048xf32>
    %jit3A_22 = arith.constant -4.13516665 : f32
    %jit3A_23 = arith.constant 4.13516665 : f32
    %max3A_24 = vector.broadcast %jit3A_22 : f32 to vector<1x2048xf32>
    %max3A_25 = arith.maximumf %max3A_24, %slice3A_11 : vector<1x2048xf32>
    %min3A_26 = vector.broadcast %jit3A_23 : f32 to vector<1x2048xf32>
    %min3A_27 = arith.minimumf %min3A_26, %max3A_25 : vector<1x2048xf32>
    %mul3A_28 = arith.mulf %sub3A, %slice3A_8 : vector<1x2048xf32>
    %add3A_29 = arith.addf %mul3A_13, %mul3A_28 : vector<1x2048xf32>
    %mul3A_30 = arith.mulf %sub3A_18, %slice3A_9 : vector<1x2048xf32>
    %add3A_31 = arith.addf %mul3A_17, %mul3A_30 : vector<1x2048xf32>
    %exp3A = math.exp %min3A_21 : vector<1x2048xf32>
    %mul3A_32 = arith.mulf %sub3A, %exp3A : vector<1x2048xf32>
    %exp3A_33 = math.exp %min3A_27 : vector<1x2048xf32>
    %mul3A_34 = arith.mulf %sub3A_18, %exp3A_33 : vector<1x2048xf32>
    %mul3A_35 = arith.constant 5.000000e-01 : f32
    %mul3A_36 = vector.broadcast %mul3A_35 : f32 to vector<1x2048xf32>
    %mul3A_37 = arith.mulf %mul3A_32, %mul3A_36 : vector<1x2048xf32>
    %sub3A_38 = arith.subf %add3A_29, %mul3A_37 : vector<1x2048xf32>
    %jit3A_39 = arith.constant 0.000000e+00 : f32
    %jit3A_40 = arith.constant 1.024000e+03 : f32
    %max3A_41 = vector.broadcast %jit3A_39 : f32 to vector<1x2048xf32>
    %max3A_42 = arith.maximumf %max3A_41, %sub3A_38 : vector<1x2048xf32>
    %min3A_43 = vector.broadcast %jit3A_40 : f32 to vector<1x2048xf32>
    %min3A_44 = arith.minimumf %min3A_43, %max3A_42 : vector<1x2048xf32>
    %mul3A_45 = arith.constant 5.000000e-01 : f32
    %mul3A_46 = vector.broadcast %mul3A_45 : f32 to vector<1x2048xf32>
    %mul3A_47 = arith.mulf %mul3A_34, %mul3A_46 : vector<1x2048xf32>
    %sub3A_48 = arith.subf %add3A_31, %mul3A_47 : vector<1x2048xf32>
    %jit3A_49 = arith.constant 0.000000e+00 : f32
    %jit3A_50 = arith.constant 1.024000e+03 : f32
    %max3A_51 = vector.broadcast %jit3A_49 : f32 to vector<1x2048xf32>
    %max3A_52 = arith.maximumf %max3A_51, %sub3A_48 : vector<1x2048xf32>
    %min3A_53 = vector.broadcast %jit3A_50 : f32 to vector<1x2048xf32>
    %min3A_54 = arith.minimumf %min3A_53, %max3A_52 : vector<1x2048xf32>
    %mul3A_55 = arith.constant 5.000000e-01 : f32
    %mul3A_56 = vector.broadcast %mul3A_55 : f32 to vector<1x2048xf32>
    %mul3A_57 = arith.mulf %mul3A_32, %mul3A_56 : vector<1x2048xf32>
    %add3A_58 = arith.addf %add3A_29, %mul3A_57 : vector<1x2048xf32>
    %jit3A_59 = arith.constant 0.000000e+00 : f32
    %jit3A_60 = arith.constant 1.024000e+03 : f32
    %max3A_61 = vector.broadcast %jit3A_59 : f32 to vector<1x2048xf32>
    %max3A_62 = arith.maximumf %max3A_61, %add3A_58 : vector<1x2048xf32>
    %min3A_63 = vector.broadcast %jit3A_60 : f32 to vector<1x2048xf32>
    %min3A_64 = arith.minimumf %min3A_63, %max3A_62 : vector<1x2048xf32>
    %mul3A_65 = arith.constant 5.000000e-01 : f32
    %mul3A_66 = vector.broadcast %mul3A_65 : f32 to vector<1x2048xf32>
    %mul3A_67 = arith.mulf %mul3A_34, %mul3A_66 : vector<1x2048xf32>
    %add3A_68 = arith.addf %add3A_31, %mul3A_67 : vector<1x2048xf32>
    %jit3A_69 = arith.constant 0.000000e+00 : f32
    %jit3A_70 = arith.constant 1.024000e+03 : f32
    %max3A_71 = vector.broadcast %jit3A_69 : f32 to vector<1x2048xf32>
    %max3A_72 = arith.maximumf %max3A_71, %add3A_68 : vector<1x2048xf32>
    %min3A_73 = vector.broadcast %jit3A_70 : f32 to vector<1x2048xf32>
    %min3A_74 = arith.minimumf %min3A_73, %max3A_72 : vector<1x2048xf32>
    %get3A_75 = arith.constant 0 : index
    %get3A_76 = arith.constant 0 : index
    %get3A_77 = vector.load %arg2[%get3A_75, %get3A_76] : memref<2048x4xf32, #tpu.memory_space<vmem>>, vector<2048x4xf32>
    %get3A_78 = arith.constant 0 : index
    %get3A_79 = arith.constant 0 : index
    %get3A_80 = vector.load %arg3[%get3A_78, %get3A_79] : memref<2048x4xf32, #tpu.memory_space<vmem>>, vector<2048x4xf32>
    %slice3A_81 = vector.extract_strided_slice %get3A_77 {offsets = [0, 0], sizes = [2048, 1], strides = [1, 1]} : vector<2048x4xf32> to vector<2048x1xf32>
    %slice3A_82 = vector.extract_strided_slice %get3A_77 {offsets = [0, 1], sizes = [2048, 1], strides = [1, 1]} : vector<2048x4xf32> to vector<2048x1xf32>
    %slice3A_83 = vector.extract_strided_slice %get3A_77 {offsets = [0, 2], sizes = [2048, 1], strides = [1, 1]} : vector<2048x4xf32> to vector<2048x1xf32>
    %slice3A_84 = vector.extract_strided_slice %get3A_77 {offsets = [0, 3], sizes = [2048, 1], strides = [1, 1]} : vector<2048x4xf32> to vector<2048x1xf32>
    %slice3A_85 = vector.extract_strided_slice %get3A_80 {offsets = [0, 0], sizes = [2048, 1], strides = [1, 1]} : vector<2048x4xf32> to vector<2048x1xf32>
    %slice3A_86 = vector.extract_strided_slice %get3A_80 {offsets = [0, 1], sizes = [2048, 1], strides = [1, 1]} : vector<2048x4xf32> to vector<2048x1xf32>
    %slice3A_87 = vector.extract_strided_slice %get3A_80 {offsets = [0, 2], sizes = [2048, 1], strides = [1, 1]} : vector<2048x4xf32> to vector<2048x1xf32>
    %slice3A_88 = vector.extract_strided_slice %get3A_80 {offsets = [0, 3], sizes = [2048, 1], strides = [1, 1]} : vector<2048x4xf32> to vector<2048x1xf32>
    %add3A_89 = arith.addf %slice3A_81, %slice3A_83 : vector<2048x1xf32>
    %mul3A_90 = arith.constant 5.000000e-01 : f32
    %mul3A_91 = vector.broadcast %mul3A_90 : f32 to vector<2048x1xf32>
    %mul3A_92 = arith.mulf %add3A_89, %mul3A_91 : vector<2048x1xf32>
    %add3A_93 = arith.addf %slice3A_82, %slice3A_84 : vector<2048x1xf32>
    %mul3A_94 = arith.constant 5.000000e-01 : f32
    %mul3A_95 = vector.broadcast %mul3A_94 : f32 to vector<2048x1xf32>
    %mul3A_96 = arith.mulf %add3A_93, %mul3A_95 : vector<2048x1xf32>
    %sub3A_97 = arith.subf %slice3A_83, %slice3A_81 : vector<2048x1xf32>
    %sub3A_98 = arith.subf %slice3A_84, %slice3A_82 : vector<2048x1xf32>
    %jit3A_99 = arith.constant -4.13516665 : f32
    %jit3A_100 = arith.constant 4.13516665 : f32
    %max3A_101 = vector.broadcast %jit3A_99 : f32 to vector<2048x1xf32>
    %max3A_102 = arith.maximumf %max3A_101, %slice3A_87 : vector<2048x1xf32>
    %min3A_103 = vector.broadcast %jit3A_100 : f32 to vector<2048x1xf32>
    %min3A_104 = arith.minimumf %min3A_103, %max3A_102 : vector<2048x1xf32>
    %jit3A_105 = arith.constant -4.13516665 : f32
    %jit3A_106 = arith.constant 4.13516665 : f32
    %max3A_107 = vector.broadcast %jit3A_105 : f32 to vector<2048x1xf32>
    %max3A_108 = arith.maximumf %max3A_107, %slice3A_88 : vector<2048x1xf32>
    %min3A_109 = vector.broadcast %jit3A_106 : f32 to vector<2048x1xf32>
    %min3A_110 = arith.minimumf %min3A_109, %max3A_108 : vector<2048x1xf32>
    %mul3A_111 = arith.mulf %sub3A_97, %slice3A_85 : vector<2048x1xf32>
    %add3A_112 = arith.addf %mul3A_92, %mul3A_111 : vector<2048x1xf32>
    %mul3A_113 = arith.mulf %sub3A_98, %slice3A_86 : vector<2048x1xf32>
    %add3A_114 = arith.addf %mul3A_96, %mul3A_113 : vector<2048x1xf32>
    %exp3A_115 = math.exp %min3A_104 : vector<2048x1xf32>
    %mul3A_116 = arith.mulf %sub3A_97, %exp3A_115 : vector<2048x1xf32>
    %exp3A_117 = math.exp %min3A_110 : vector<2048x1xf32>
    %mul3A_118 = arith.mulf %sub3A_98, %exp3A_117 : vector<2048x1xf32>
    %mul3A_119 = arith.constant 5.000000e-01 : f32
    %mul3A_120 = vector.broadcast %mul3A_119 : f32 to vector<2048x1xf32>
    %mul3A_121 = arith.mulf %mul3A_116, %mul3A_120 : vector<2048x1xf32>
    %sub3A_122 = arith.subf %add3A_112, %mul3A_121 : vector<2048x1xf32>
    %jit3A_123 = arith.constant 0.000000e+00 : f32
    %jit3A_124 = arith.constant 1.024000e+03 : f32
    %max3A_125 = vector.broadcast %jit3A_123 : f32 to vector<2048x1xf32>
    %max3A_126 = arith.maximumf %max3A_125, %sub3A_122 : vector<2048x1xf32>
    %min3A_127 = vector.broadcast %jit3A_124 : f32 to vector<2048x1xf32>
    %min3A_128 = arith.minimumf %min3A_127, %max3A_126 : vector<2048x1xf32>
    %mul3A_129 = arith.constant 5.000000e-01 : f32
    %mul3A_130 = vector.broadcast %mul3A_129 : f32 to vector<2048x1xf32>
    %mul3A_131 = arith.mulf %mul3A_118, %mul3A_130 : vector<2048x1xf32>
    %sub3A_132 = arith.subf %add3A_114, %mul3A_131 : vector<2048x1xf32>
    %jit3A_133 = arith.constant 0.000000e+00 : f32
    %jit3A_134 = arith.constant 1.024000e+03 : f32
    %max3A_135 = vector.broadcast %jit3A_133 : f32 to vector<2048x1xf32>
    %max3A_136 = arith.maximumf %max3A_135, %sub3A_132 : vector<2048x1xf32>
    %min3A_137 = vector.broadcast %jit3A_134 : f32 to vector<2048x1xf32>
    %min3A_138 = arith.minimumf %min3A_137, %max3A_136 : vector<2048x1xf32>
    %mul3A_139 = arith.constant 5.000000e-01 : f32
    %mul3A_140 = vector.broadcast %mul3A_139 : f32 to vector<2048x1xf32>
    %mul3A_141 = arith.mulf %mul3A_116, %mul3A_140 : vector<2048x1xf32>
    %add3A_142 = arith.addf %add3A_112, %mul3A_141 : vector<2048x1xf32>
    %jit3A_143 = arith.constant 0.000000e+00 : f32
    %jit3A_144 = arith.constant 1.024000e+03 : f32
    %max3A_145 = vector.broadcast %jit3A_143 : f32 to vector<2048x1xf32>
    %max3A_146 = arith.maximumf %max3A_145, %add3A_142 : vector<2048x1xf32>
    %min3A_147 = vector.broadcast %jit3A_144 : f32 to vector<2048x1xf32>
    %min3A_148 = arith.minimumf %min3A_147, %max3A_146 : vector<2048x1xf32>
    %mul3A_149 = arith.constant 5.000000e-01 : f32
    %mul3A_150 = vector.broadcast %mul3A_149 : f32 to vector<2048x1xf32>
    %mul3A_151 = arith.mulf %mul3A_118, %mul3A_150 : vector<2048x1xf32>
    %add3A_152 = arith.addf %add3A_114, %mul3A_151 : vector<2048x1xf32>
    %jit3A_153 = arith.constant 0.000000e+00 : f32
    %jit3A_154 = arith.constant 1.024000e+03 : f32
    %max3A_155 = vector.broadcast %jit3A_153 : f32 to vector<2048x1xf32>
    %max3A_156 = arith.maximumf %max3A_155, %add3A_152 : vector<2048x1xf32>
    %min3A_157 = vector.broadcast %jit3A_154 : f32 to vector<2048x1xf32>
    %min3A_158 = arith.minimumf %min3A_157, %max3A_156 : vector<2048x1xf32>
    %max3A_159 = arith.maximumf %min3A_44, %min3A_54 : vector<1x2048xf32>
    %max3A_160 = arith.maximumf %min3A_64, %min3A_74 : vector<1x2048xf32>
    %max3A_161 = arith.maximumf %max3A_159, %max3A_160 : vector<1x2048xf32>
    %reduce_max3A = vector.shape_cast %max3A_161 : vector<1x2048xf32> to vector<1x1x2048xf32>
    %reduce_max3A_162 = arith.constant dense<0xFF800000> : vector<1xf32>
    %reduce_max3A_163 = vector.multi_reduction <maximumf>, %reduce_max3A, %reduce_max3A_162 [1, 2] : vector<1x1x2048xf32> to vector<1xf32>
    %reduce_max3A_164 = vector.shape_cast %reduce_max3A_163 : vector<1xf32> to vector<1x1x1xf32>
    %reduce_max3A_165 = vector.extract %reduce_max3A_164[0, 0, 0] : f32 from vector<1x1x1xf32>
    %get3A_166 = arith.constant 0 : index
    %get3A_167 = arith.constant 0 : index
    %get3A_168 = vector.load %arg5[%get3A_166, %get3A_167] : memref<1x2048xf32, #tpu.memory_space<vmem>>, vector<1x2048xf32>
    %add3A_169 = arith.constant 1.000000e+00 : f32
    %add3A_170 = arith.addf %reduce_max3A_165, %add3A_169 : f32
    %mul3A_171 = vector.broadcast %add3A_170 : f32 to vector<1x2048xf32>
    %mul3A_172 = arith.mulf %get3A_168, %mul3A_171 : vector<1x2048xf32>
    %get3A_173 = arith.constant 0 : index
    %get3A_174 = arith.constant 0 : index
    %get3A_175 = vector.load %arg6[%get3A_173, %get3A_174] : memref<2048x1xf32, #tpu.memory_space<vmem>>, vector<2048x1xf32>
    %add3A_176 = arith.constant 1.000000e+00 : f32
    %add3A_177 = arith.addf %reduce_max3A_165, %add3A_176 : f32
    %mul3A_178 = vector.broadcast %add3A_177 : f32 to vector<2048x1xf32>
    %mul3A_179 = arith.mulf %get3A_175, %mul3A_178 : vector<2048x1xf32>
    %add3A_180 = arith.addf %min3A_44, %mul3A_172 : vector<1x2048xf32>
    %add3A_181 = arith.addf %min3A_54, %mul3A_172 : vector<1x2048xf32>
    %add3A_182 = arith.addf %min3A_64, %mul3A_172 : vector<1x2048xf32>
    %add3A_183 = arith.addf %min3A_74, %mul3A_172 : vector<1x2048xf32>
    %add3A_184 = arith.addf %min3A_128, %mul3A_179 : vector<2048x1xf32>
    %add3A_185 = arith.addf %min3A_138, %mul3A_179 : vector<2048x1xf32>
    %add3A_186 = arith.addf %min3A_148, %mul3A_179 : vector<2048x1xf32>
    %add3A_187 = arith.addf %min3A_158, %mul3A_179 : vector<2048x1xf32>
    %sub3A_188 = arith.subf %add3A_182, %add3A_180 : vector<1x2048xf32>
    %sub3A_189 = arith.subf %add3A_183, %add3A_181 : vector<1x2048xf32>
    %mul3A_190 = arith.mulf %sub3A_188, %sub3A_189 : vector<1x2048xf32>
    %sub3A_191 = arith.subf %add3A_186, %add3A_184 : vector<2048x1xf32>
    %sub3A_192 = arith.subf %add3A_187, %add3A_185 : vector<2048x1xf32>
    %mul3A_193 = arith.mulf %sub3A_191, %sub3A_192 : vector<2048x1xf32>
    %slice3A_194 = vector.extract_strided_slice %add3A_184 {offsets = [0, 0], sizes = [256, 1], strides = [1, 1]} : vector<2048x1xf32> to vector<256x1xf32>
    %max3A_195 = vector.broadcast %slice3A_194 : vector<256x1xf32> to vector<256x2048xf32>
    %max3A_196 = vector.broadcast %add3A_180 : vector<1x2048xf32> to vector<256x2048xf32>
    %max3A_197 = arith.maximumf %max3A_195, %max3A_196 : vector<256x2048xf32>
    %slice3A_198 = vector.extract_strided_slice %add3A_185 {offsets = [0, 0], sizes = [256, 1], strides = [1, 1]} : vector<2048x1xf32> to vector<256x1xf32>
    %max3A_199 = vector.broadcast %slice3A_198 : vector<256x1xf32> to vector<256x2048xf32>
    %max3A_200 = vector.broadcast %add3A_181 : vector<1x2048xf32> to vector<256x2048xf32>
    %max3A_201 = arith.maximumf %max3A_199, %max3A_200 : vector<256x2048xf32>
    %slice3A_202 = vector.extract_strided_slice %add3A_186 {offsets = [0, 0], sizes = [256, 1], strides = [1, 1]} : vector<2048x1xf32> to vector<256x1xf32>
    %min3A_203 = vector.broadcast %slice3A_202 : vector<256x1xf32> to vector<256x2048xf32>
    %min3A_204 = vector.broadcast %add3A_182 : vector<1x2048xf32> to vector<256x2048xf32>
    %min3A_205 = arith.minimumf %min3A_203, %min3A_204 : vector<256x2048xf32>
    %slice3A_206 = vector.extract_strided_slice %add3A_187 {offsets = [0, 0], sizes = [256, 1], strides = [1, 1]} : vector<2048x1xf32> to vector<256x1xf32>
    %min3A_207 = vector.broadcast %slice3A_206 : vector<256x1xf32> to vector<256x2048xf32>
    %min3A_208 = vector.broadcast %add3A_183 : vector<1x2048xf32> to vector<256x2048xf32>
    %min3A_209 = arith.minimumf %min3A_207, %min3A_208 : vector<256x2048xf32>
    %sub3A_210 = arith.subf %min3A_205, %max3A_197 : vector<256x2048xf32>
    %max3A_211 = arith.constant 0.000000e+00 : f32
    %max3A_212 = vector.broadcast %max3A_211 : f32 to vector<256x2048xf32>
    %max3A_213 = arith.maximumf %sub3A_210, %max3A_212 : vector<256x2048xf32>
    %sub3A_214 = arith.subf %min3A_209, %max3A_201 : vector<256x2048xf32>
    %max3A_215 = arith.constant 0.000000e+00 : f32
    %max3A_216 = vector.broadcast %max3A_215 : f32 to vector<256x2048xf32>
    %max3A_217 = arith.maximumf %sub3A_214, %max3A_216 : vector<256x2048xf32>
    %mul3A_218 = arith.mulf %max3A_213, %max3A_217 : vector<256x2048xf32>
    %slice3A_219 = vector.extract_strided_slice %mul3A_193 {offsets = [0, 0], sizes = [256, 1], strides = [1, 1]} : vector<2048x1xf32> to vector<256x1xf32>
    %add3A_220 = vector.broadcast %slice3A_219 : vector<256x1xf32> to vector<256x2048xf32>
    %add3A_221 = vector.broadcast %mul3A_190 : vector<1x2048xf32> to vector<256x2048xf32>
    %add3A_222 = arith.addf %add3A_220, %add3A_221 : vector<256x2048xf32>
    %sub3A_223 = arith.subf %add3A_222, %mul3A_218 : vector<256x2048xf32>
    %add3A_224 = arith.constant 9.99999997E-7 : f32
    %add3A_225 = vector.broadcast %add3A_224 : f32 to vector<256x2048xf32>
    %add3A_226 = arith.addf %sub3A_223, %add3A_225 : vector<256x2048xf32>
    %div3A = arith.divf %mul3A_218, %add3A_226 : vector<256x2048xf32>
    %iota3A = tpu.iota {dimensions = array<i32: 0>} : vector<256x2048xi32>
    %add3A_227 = arith.constant 0 : i32
    %add3A_228 = vector.broadcast %add3A_227 : i32 to vector<256x2048xi32>
    %add3A_229 = arith.addi %iota3A, %add3A_228 : vector<256x2048xi32>
    %iota3A_230 = tpu.iota {dimensions = array<i32: 1>} : vector<256x2048xi32>
    %gt3A = arith.constant 0.699999988 : f32
    %gt3A_231 = vector.broadcast %gt3A : f32 to vector<256x2048xf32>
    %gt3A_232 = arith.cmpf ogt, %div3A, %gt3A_231 : vector<256x2048xf32>
    %gt3A_233 = arith.cmpi sgt, %iota3A_230, %add3A_229 : vector<256x2048xi32>
    %and3A = arith.andi %gt3A_232, %gt3A_233 : vector<256x2048xi1>
    %convert_element_type3A = arith.extui %and3A : vector<256x2048xi1> to vector<256x2048xi32>
    %convert_element_type3A_234 = arith.sitofp %convert_element_type3A : vector<256x2048xi32> to vector<256x2048xf32>
    %convert_element_type3A_235 = arith.truncf %convert_element_type3A_234 : vector<256x2048xf32> to vector<256x2048xbf16>
    %swap3A = arith.constant 0 : index
    %swap3A_236 = arith.constant 0 : index
    %swap3A_237 = vector.load %arg8[%swap3A, %swap3A_236] : memref<2048x2048xbf16, #tpu.memory_space<vmem>>, vector<256x2048xbf16>
    tpu.vector_store %arg8[%swap3A, %swap3A_236], %convert_element_type3A_235 {strides = array<i32>} : memref<2048x2048xbf16, #tpu.memory_space<vmem>>, vector<256x2048xbf16>,
    %slice3A_238 = vector.extract_strided_slice %add3A_184 {offsets = [256, 0], sizes = [256, 1], strides = [1, 1]} : vector<2048x1xf32> to vector<256x1xf32>
    %max3A_239 = vector.broadcast %slice3A_238 : vector<256x1xf32> to vector<256x2048xf32>
    %max3A_240 = vector.broadcast %add3A_180 : vector<1x2048xf32> to vector<256x2048xf32>
    %max3A_241 = arith.maximumf %max3A_239, %max3A_240 : vector<256x2048xf32>
    %slice3A_242 = vector.extract_strided_slice %add3A_185 {offsets = [256, 0], sizes = [256, 1], strides = [1, 1]} : vector<2048x1xf32> to vector<256x1xf32>
    %max3A_243 = vector.broadcast %slice3A_242 : vector<256x1xf32> to vector<256x2048xf32>
    %max3A_244 = vector.broadcast %add3A_181 : vector<1x2048xf32> to vector<256x2048xf32>
    %max3A_245 = arith.maximumf %max3A_243, %max3A_244 : vector<256x2048xf32>
    %slice3A_246 = vector.extract_strided_slice %add3A_186 {offsets = [256, 0], sizes = [256, 1], strides = [1, 1]} : vector<2048x1xf32> to vector<256x1xf32>
    %min3A_247 = vector.broadcast %slice3A_246 : vector<256x1xf32> to vector<256x2048xf32>
    %min3A_248 = vector.broadcast %add3A_182 : vector<1x2048xf32> to vector<256x2048xf32>
    %min3A_249 = arith.minimumf %min3A_247, %min3A_248 : vector<256x2048xf32>
    %slice3A_250 = vector.extract_strided_slice %add3A_187 {offsets = [256, 0], sizes = [256, 1], strides = [1, 1]} : vector<2048x1xf32> to vector<256x1xf32>
    %min3A_251 = vector.broadcast %slice3A_250 : vector<256x1xf32> to vector<256x2048xf32>
    %min3A_252 = vector.broadcast %add3A_183 : vector<1x2048xf32> to vector<256x2048xf32>
    %min3A_253 = arith.minimumf %min3A_251, %min3A_252 : vector<256x2048xf32>
    %sub3A_254 = arith.subf %min3A_249, %max3A_241 : vector<256x2048xf32>
    %max3A_255 = arith.constant 0.000000e+00 : f32
    %max3A_256 = vector.broadcast %max3A_255 : f32 to vector<256x2048xf32>
    %max3A_257 = arith.maximumf %sub3A_254, %max3A_256 : vector<256x2048xf32>
    %sub3A_258 = arith.subf %min3A_253, %max3A_245 : vector<256x2048xf32>
    %max3A_259 = arith.constant 0.000000e+00 : f32
    %max3A_260 = vector.broadcast %max3A_259 : f32 to vector<256x2048xf32>
    %max3A_261 = arith.maximumf %sub3A_258, %max3A_260 : vector<256x2048xf32>
    %mul3A_262 = arith.mulf %max3A_257, %max3A_261 : vector<256x2048xf32>
    %slice3A_263 = vector.extract_strided_slice %mul3A_193 {offsets = [256, 0], sizes = [256, 1], strides = [1, 1]} : vector<2048x1xf32> to vector<256x1xf32>
    %add3A_264 = vector.broadcast %slice3A_263 : vector<256x1xf32> to vector<256x2048xf32>
    %add3A_265 = vector.broadcast %mul3A_190 : vector<1x2048xf32> to vector<256x2048xf32>
    %add3A_266 = arith.addf %add3A_264, %add3A_265 : vector<256x2048xf32>
    %sub3A_267 = arith.subf %add3A_266, %mul3A_262 : vector<256x2048xf32>
    %add3A_268 = arith.constant 9.99999997E-7 : f32
    %add3A_269 = vector.broadcast %add3A_268 : f32 to vector<256x2048xf32>
    %add3A_270 = arith.addf %sub3A_267, %add3A_269 : vector<256x2048xf32>
    %div3A_271 = arith.divf %mul3A_262, %add3A_270 : vector<256x2048xf32>
    %iota3A_272 = tpu.iota {dimensions = array<i32: 0>} : vector<256x2048xi32>
    %add3A_273 = arith.constant 256 : i32
    %add3A_274 = vector.broadcast %add3A_273 : i32 to vector<256x2048xi32>
    %add3A_275 = arith.addi %iota3A_272, %add3A_274 : vector<256x2048xi32>
    %iota3A_276 = tpu.iota {dimensions = array<i32: 1>} : vector<256x2048xi32>
    %gt3A_277 = arith.constant 0.699999988 : f32
    %gt3A_278 = vector.broadcast %gt3A_277 : f32 to vector<256x2048xf32>
    %gt3A_279 = arith.cmpf ogt, %div3A_271, %gt3A_278 : vector<256x2048xf32>
    %gt3A_280 = arith.cmpi sgt, %iota3A_276, %add3A_275 : vector<256x2048xi32>
    %and3A_281 = arith.andi %gt3A_279, %gt3A_280 : vector<256x2048xi1>
    %convert_element_type3A_282 = arith.extui %and3A_281 : vector<256x2048xi1> to vector<256x2048xi32>
    %convert_element_type3A_283 = arith.sitofp %convert_element_type3A_282 : vector<256x2048xi32> to vector<256x2048xf32>
    %convert_element_type3A_284 = arith.truncf %convert_element_type3A_283 : vector<256x2048xf32> to vector<256x2048xbf16>
    %swap3A_285 = arith.constant 256 : index
    %swap3A_286 = arith.constant 0 : index
    %swap3A_287 = vector.load %arg8[%swap3A_285, %swap3A_286] : memref<2048x2048xbf16, #tpu.memory_space<vmem>>, vector<256x2048xbf16>
    tpu.vector_store %arg8[%swap3A_285, %swap3A_286], %convert_element_type3A_284 {strides = array<i32>} : memref<2048x2048xbf16, #tpu.memory_space<vmem>>, vector<256x2048xbf16>,
    %slice3A_288 = vector.extract_strided_slice %add3A_184 {offsets = [512, 0], sizes = [256, 1], strides = [1, 1]} : vector<2048x1xf32> to vector<256x1xf32>
    %max3A_289 = vector.broadcast %slice3A_288 : vector<256x1xf32> to vector<256x2048xf32>
    %max3A_290 = vector.broadcast %add3A_180 : vector<1x2048xf32> to vector<256x2048xf32>
    %max3A_291 = arith.maximumf %max3A_289, %max3A_290 : vector<256x2048xf32>
    %slice3A_292 = vector.extract_strided_slice %add3A_185 {offsets = [512, 0], sizes = [256, 1], strides = [1, 1]} : vector<2048x1xf32> to vector<256x1xf32>
    %max3A_293 = vector.broadcast %slice3A_292 : vector<256x1xf32> to vector<256x2048xf32>
    %max3A_294 = vector.broadcast %add3A_181 : vector<1x2048xf32> to vector<256x2048xf32>
    %max3A_295 = arith.maximumf %max3A_293, %max3A_294 : vector<256x2048xf32>
    %slice3A_296 = vector.extract_strided_slice %add3A_186 {offsets = [512, 0], sizes = [256, 1], strides = [1, 1]} : vector<2048x1xf32> to vector<256x1xf32>
    %min3A_297 = vector.broadcast %slice3A_296 : vector<256x1xf32> to vector<256x2048xf32>
    %min3A_298 = vector.broadcast %add3A_182 : vector<1x2048xf32> to vector<256x2048xf32>
    %min3A_299 = arith.minimumf %min3A_297, %min3A_298 : vector<256x2048xf32>
    %slice3A_300 = vector.extract_strided_slice %add3A_187 {offsets = [512, 0], sizes = [256, 1], strides = [1, 1]} : vector<2048x1xf32> to vector<256x1xf32>
    %min3A_301 = vector.broadcast %slice3A_300 : vector<256x1xf32> to vector<256x2048xf32>
    %min3A_302 = vector.broadcast %add3A_183 : vector<1x2048xf32> to vector<256x2048xf32>
    %min3A_303 = arith.minimumf %min3A_301, %min3A_302 : vector<256x2048xf32>
    %sub3A_304 = arith.subf %min3A_299, %max3A_291 : vector<256x2048xf32>
    %max3A_305 = arith.constant 0.000000e+00 : f32
    %max3A_306 = vector.broadcast %max3A_305 : f32 to vector<256x2048xf32>
    %max3A_307 = arith.maximumf %sub3A_304, %max3A_306 : vector<256x2048xf32>
    %sub3A_308 = arith.subf %min3A_303, %max3A_295 : vector<256x2048xf32>
    %max3A_309 = arith.constant 0.000000e+00 : f32
    %max3A_310 = vector.broadcast %max3A_309 : f32 to vector<256x2048xf32>
    %max3A_311 = arith.maximumf %sub3A_308, %max3A_310 : vector<256x2048xf32>
    %mul3A_312 = arith.mulf %max3A_307, %max3A_311 : vector<256x2048xf32>
    %slice3A_313 = vector.extract_strided_slice %mul3A_193 {offsets = [512, 0], sizes = [256, 1], strides = [1, 1]} : vector<2048x1xf32> to vector<256x1xf32>
    %add3A_314 = vector.broadcast %slice3A_313 : vector<256x1xf32> to vector<256x2048xf32>
    %add3A_315 = vector.broadcast %mul3A_190 : vector<1x2048xf32> to vector<256x2048xf32>
    %add3A_316 = arith.addf %add3A_314, %add3A_315 : vector<256x2048xf32>
    %sub3A_317 = arith.subf %add3A_316, %mul3A_312 : vector<256x2048xf32>
    %add3A_318 = arith.constant 9.99999997E-7 : f32
    %add3A_319 = vector.broadcast %add3A_318 : f32 to vector<256x2048xf32>
    %add3A_320 = arith.addf %sub3A_317, %add3A_319 : vector<256x2048xf32>
    %div3A_321 = arith.divf %mul3A_312, %add3A_320 : vector<256x2048xf32>
    %iota3A_322 = tpu.iota {dimensions = array<i32: 0>} : vector<256x2048xi32>
    %add3A_323 = arith.constant 512 : i32
    %add3A_324 = vector.broadcast %add3A_323 : i32 to vector<256x2048xi32>
    %add3A_325 = arith.addi %iota3A_322, %add3A_324 : vector<256x2048xi32>
    %iota3A_326 = tpu.iota {dimensions = array<i32: 1>} : vector<256x2048xi32>
    %gt3A_327 = arith.constant 0.699999988 : f32
    %gt3A_328 = vector.broadcast %gt3A_327 : f32 to vector<256x2048xf32>
    %gt3A_329 = arith.cmpf ogt, %div3A_321, %gt3A_328 : vector<256x2048xf32>
    %gt3A_330 = arith.cmpi sgt, %iota3A_326, %add3A_325 : vector<256x2048xi32>
    %and3A_331 = arith.andi %gt3A_329, %gt3A_330 : vector<256x2048xi1>
    %convert_element_type3A_332 = arith.extui %and3A_331 : vector<256x2048xi1> to vector<256x2048xi32>
    %convert_element_type3A_333 = arith.sitofp %convert_element_type3A_332 : vector<256x2048xi32> to vector<256x2048xf32>
    %convert_element_type3A_334 = arith.truncf %convert_element_type3A_333 : vector<256x2048xf32> to vector<256x2048xbf16>
    %swap3A_335 = arith.constant 512 : index
    %swap3A_336 = arith.constant 0 : index
    %swap3A_337 = vector.load %arg8[%swap3A_335, %swap3A_336] : memref<2048x2048xbf16, #tpu.memory_space<vmem>>, vector<256x2048xbf16>
    tpu.vector_store %arg8[%swap3A_335, %swap3A_336], %convert_element_type3A_334 {strides = array<i32>} : memref<2048x2048xbf16, #tpu.memory_space<vmem>>, vector<256x2048xbf16>,
    %slice3A_338 = vector.extract_strided_slice %add3A_184 {offsets = [768, 0], sizes = [256, 1], strides = [1, 1]} : vector<2048x1xf32> to vector<256x1xf32>
    %max3A_339 = vector.broadcast %slice3A_338 : vector<256x1xf32> to vector<256x2048xf32>
    %max3A_340 = vector.broadcast %add3A_180 : vector<1x2048xf32> to vector<256x2048xf32>
    %max3A_341 = arith.maximumf %max3A_339, %max3A_340 : vector<256x2048xf32>
    %slice3A_342 = vector.extract_strided_slice %add3A_185 {offsets = [768, 0], sizes = [256, 1], strides = [1, 1]} : vector<2048x1xf32> to vector<256x1xf32>
    %max3A_343 = vector.broadcast %slice3A_342 : vector<256x1xf32> to vector<256x2048xf32>
    %max3A_344 = vector.broadcast %add3A_181 : vector<1x2048xf32> to vector<256x2048xf32>
    %max3A_345 = arith.maximumf %max3A_343, %max3A_344 : vector<256x2048xf32>
    %slice3A_346 = vector.extract_strided_slice %add3A_186 {offsets = [768, 0], sizes = [256, 1], strides = [1, 1]} : vector<2048x1xf32> to vector<256x1xf32>
    %min3A_347 = vector.broadcast %slice3A_346 : vector<256x1xf32> to vector<256x2048xf32>
    %min3A_348 = vector.broadcast %add3A_182 : vector<1x2048xf32> to vector<256x2048xf32>
    %min3A_349 = arith.minimumf %min3A_347, %min3A_348 : vector<256x2048xf32>
    %slice3A_350 = vector.extract_strided_slice %add3A_187 {offsets = [768, 0], sizes = [256, 1], strides = [1, 1]} : vector<2048x1xf32> to vector<256x1xf32>
    %min3A_351 = vector.broadcast %slice3A_350 : vector<256x1xf32> to vector<256x2048xf32>
    %min3A_352 = vector.broadcast %add3A_183 : vector<1x2048xf32> to vector<256x2048xf32>
    %min3A_353 = arith.minimumf %min3A_351, %min3A_352 : vector<256x2048xf32>
    %sub3A_354 = arith.subf %min3A_349, %max3A_341 : vector<256x2048xf32>
    %max3A_355 = arith.constant 0.000000e+00 : f32
    %max3A_356 = vector.broadcast %max3A_355 : f32 to vector<256x2048xf32>
    %max3A_357 = arith.maximumf %sub3A_354, %max3A_356 : vector<256x2048xf32>
    %sub3A_358 = arith.subf %min3A_353, %max3A_345 : vector<256x2048xf32>
    %max3A_359 = arith.constant 0.000000e+00 : f32
    %max3A_360 = vector.broadcast %max3A_359 : f32 to vector<256x2048xf32>
    %max3A_361 = arith.maximumf %sub3A_358, %max3A_360 : vector<256x2048xf32>
    %mul3A_362 = arith.mulf %max3A_357, %max3A_361 : vector<256x2048xf32>
    %slice3A_363 = vector.extract_strided_slice %mul3A_193 {offsets = [768, 0], sizes = [256, 1], strides = [1, 1]} : vector<2048x1xf32> to vector<256x1xf32>
    %add3A_364 = vector.broadcast %slice3A_363 : vector<256x1xf32> to vector<256x2048xf32>
    %add3A_365 = vector.broadcast %mul3A_190 : vector<1x2048xf32> to vector<256x2048xf32>
    %add3A_366 = arith.addf %add3A_364, %add3A_365 : vector<256x2048xf32>
    %sub3A_367 = arith.subf %add3A_366, %mul3A_362 : vector<256x2048xf32>
    %add3A_368 = arith.constant 9.99999997E-7 : f32
    %add3A_369 = vector.broadcast %add3A_368 : f32 to vector<256x2048xf32>
    %add3A_370 = arith.addf %sub3A_367, %add3A_369 : vector<256x2048xf32>
    %div3A_371 = arith.divf %mul3A_362, %add3A_370 : vector<256x2048xf32>
    %iota3A_372 = tpu.iota {dimensions = array<i32: 0>} : vector<256x2048xi32>
    %add3A_373 = arith.constant 768 : i32
    %add3A_374 = vector.broadcast %add3A_373 : i32 to vector<256x2048xi32>
    %add3A_375 = arith.addi %iota3A_372, %add3A_374 : vector<256x2048xi32>
    %iota3A_376 = tpu.iota {dimensions = array<i32: 1>} : vector<256x2048xi32>
    %gt3A_377 = arith.constant 0.699999988 : f32
    %gt3A_378 = vector.broadcast %gt3A_377 : f32 to vector<256x2048xf32>
    %gt3A_379 = arith.cmpf ogt, %div3A_371, %gt3A_378 : vector<256x2048xf32>
    %gt3A_380 = arith.cmpi sgt, %iota3A_376, %add3A_375 : vector<256x2048xi32>
    %and3A_381 = arith.andi %gt3A_379, %gt3A_380 : vector<256x2048xi1>
    %convert_element_type3A_382 = arith.extui %and3A_381 : vector<256x2048xi1> to vector<256x2048xi32>
    %convert_element_type3A_383 = arith.sitofp %convert_element_type3A_382 : vector<256x2048xi32> to vector<256x2048xf32>
    %convert_element_type3A_384 = arith.truncf %convert_element_type3A_383 : vector<256x2048xf32> to vector<256x2048xbf16>
    %swap3A_385 = arith.constant 768 : index
    %swap3A_386 = arith.constant 0 : index
    %swap3A_387 = vector.load %arg8[%swap3A_385, %swap3A_386] : memref<2048x2048xbf16, #tpu.memory_space<vmem>>, vector<256x2048xbf16>
    tpu.vector_store %arg8[%swap3A_385, %swap3A_386], %convert_element_type3A_384 {strides = array<i32>} : memref<2048x2048xbf16, #tpu.memory_space<vmem>>, vector<256x2048xbf16>,
    %slice3A_388 = vector.extract_strided_slice %add3A_184 {offsets = [1024, 0], sizes = [256, 1], strides = [1, 1]} : vector<2048x1xf32> to vector<256x1xf32>
    %max3A_389 = vector.broadcast %slice3A_388 : vector<256x1xf32> to vector<256x2048xf32>
    %max3A_390 = vector.broadcast %add3A_180 : vector<1x2048xf32> to vector<256x2048xf32>
    %max3A_391 = arith.maximumf %max3A_389, %max3A_390 : vector<256x2048xf32>
    %slice3A_392 = vector.extract_strided_slice %add3A_185 {offsets = [1024, 0], sizes = [256, 1], strides = [1, 1]} : vector<2048x1xf32> to vector<256x1xf32>
    %max3A_393 = vector.broadcast %slice3A_392 : vector<256x1xf32> to vector<256x2048xf32>
    %max3A_394 = vector.broadcast %add3A_181 : vector<1x2048xf32> to vector<256x2048xf32>
    %max3A_395 = arith.maximumf %max3A_393, %max3A_394 : vector<256x2048xf32>
    %slice3A_396 = vector.extract_strided_slice %add3A_186 {offsets = [1024, 0], sizes = [256, 1], strides = [1, 1]} : vector<2048x1xf32> to vector<256x1xf32>
    %min3A_397 = vector.broadcast %slice3A_396 : vector<256x1xf32> to vector<256x2048xf32>
    %min3A_398 = vector.broadcast %add3A_182 : vector<1x2048xf32> to vector<256x2048xf32>
    %min3A_399 = arith.minimumf %min3A_397, %min3A_398 : vector<256x2048xf32>
    %slice3A_400 = vector.extract_strided_slice %add3A_187 {offsets = [1024, 0], sizes = [256, 1], strides = [1, 1]} : vector<2048x1xf32> to vector<256x1xf32>
    %min3A_401 = vector.broadcast %slice3A_400 : vector<256x1xf32> to vector<256x2048xf32>
    %min3A_402 = vector.broadcast %add3A_183 : vector<1x2048xf32> to vector<256x2048xf32>
    %min3A_403 = arith.minimumf %min3A_401, %min3A_402 : vector<256x2048xf32>
    %sub3A_404 = arith.subf %min3A_399, %max3A_391 : vector<256x2048xf32>
    %max3A_405 = arith.constant 0.000000e+00 : f32
    %max3A_406 = vector.broadcast %max3A_405 : f32 to vector<256x2048xf32>
    %max3A_407 = arith.maximumf %sub3A_404, %max3A_406 : vector<256x2048xf32>
    %sub3A_408 = arith.subf %min3A_403, %max3A_395 : vector<256x2048xf32>
    %max3A_409 = arith.constant 0.000000e+00 : f32
    %max3A_410 = vector.broadcast %max3A_409 : f32 to vector<256x2048xf32>
    %max3A_411 = arith.maximumf %sub3A_408, %max3A_410 : vector<256x2048xf32>
    %mul3A_412 = arith.mulf %max3A_407, %max3A_411 : vector<256x2048xf32>
    %slice3A_413 = vector.extract_strided_slice %mul3A_193 {offsets = [1024, 0], sizes = [256, 1], strides = [1, 1]} : vector<2048x1xf32> to vector<256x1xf32>
    %add3A_414 = vector.broadcast %slice3A_413 : vector<256x1xf32> to vector<256x2048xf32>
    %add3A_415 = vector.broadcast %mul3A_190 : vector<1x2048xf32> to vector<256x2048xf32>
    %add3A_416 = arith.addf %add3A_414, %add3A_415 : vector<256x2048xf32>
    %sub3A_417 = arith.subf %add3A_416, %mul3A_412 : vector<256x2048xf32>
    %add3A_418 = arith.constant 9.99999997E-7 : f32
    %add3A_419 = vector.broadcast %add3A_418 : f32 to vector<256x2048xf32>
    %add3A_420 = arith.addf %sub3A_417, %add3A_419 : vector<256x2048xf32>
    %div3A_421 = arith.divf %mul3A_412, %add3A_420 : vector<256x2048xf32>
    %iota3A_422 = tpu.iota {dimensions = array<i32: 0>} : vector<256x2048xi32>
    %add3A_423 = arith.constant 1024 : i32
    %add3A_424 = vector.broadcast %add3A_423 : i32 to vector<256x2048xi32>
    %add3A_425 = arith.addi %iota3A_422, %add3A_424 : vector<256x2048xi32>
    %iota3A_426 = tpu.iota {dimensions = array<i32: 1>} : vector<256x2048xi32>
    %gt3A_427 = arith.constant 0.699999988 : f32
    %gt3A_428 = vector.broadcast %gt3A_427 : f32 to vector<256x2048xf32>
    %gt3A_429 = arith.cmpf ogt, %div3A_421, %gt3A_428 : vector<256x2048xf32>
    %gt3A_430 = arith.cmpi sgt, %iota3A_426, %add3A_425 : vector<256x2048xi32>
    %and3A_431 = arith.andi %gt3A_429, %gt3A_430 : vector<256x2048xi1>
    %convert_element_type3A_432 = arith.extui %and3A_431 : vector<256x2048xi1> to vector<256x2048xi32>
    %convert_element_type3A_433 = arith.sitofp %convert_element_type3A_432 : vector<256x2048xi32> to vector<256x2048xf32>
    %convert_element_type3A_434 = arith.truncf %convert_element_type3A_433 : vector<256x2048xf32> to vector<256x2048xbf16>
    %swap3A_435 = arith.constant 1024 : index
    %swap3A_436 = arith.constant 0 : index
    %swap3A_437 = vector.load %arg8[%swap3A_435, %swap3A_436] : memref<2048x2048xbf16, #tpu.memory_space<vmem>>, vector<256x2048xbf16>
    tpu.vector_store %arg8[%swap3A_435, %swap3A_436], %convert_element_type3A_434 {strides = array<i32>} : memref<2048x2048xbf16, #tpu.memory_space<vmem>>, vector<256x2048xbf16>,
    %slice3A_438 = vector.extract_strided_slice %add3A_184 {offsets = [1280, 0], sizes = [256, 1], strides = [1, 1]} : vector<2048x1xf32> to vector<256x1xf32>
    %max3A_439 = vector.broadcast %slice3A_438 : vector<256x1xf32> to vector<256x2048xf32>
    %max3A_440 = vector.broadcast %add3A_180 : vector<1x2048xf32> to vector<256x2048xf32>
    %max3A_441 = arith.maximumf %max3A_439, %max3A_440 : vector<256x2048xf32>
    %slice3A_442 = vector.extract_strided_slice %add3A_185 {offsets = [1280, 0], sizes = [256, 1], strides = [1, 1]} : vector<2048x1xf32> to vector<256x1xf32>
    %max3A_443 = vector.broadcast %slice3A_442 : vector<256x1xf32> to vector<256x2048xf32>
    %max3A_444 = vector.broadcast %add3A_181 : vector<1x2048xf32> to vector<256x2048xf32>
    %max3A_445 = arith.maximumf %max3A_443, %max3A_444 : vector<256x2048xf32>
    %slice3A_446 = vector.extract_strided_slice %add3A_186 {offsets = [1280, 0], sizes = [256, 1], strides = [1, 1]} : vector<2048x1xf32> to vector<256x1xf32>
    %min3A_447 = vector.broadcast %slice3A_446 : vector<256x1xf32> to vector<256x2048xf32>
    %min3A_448 = vector.broadcast %add3A_182 : vector<1x2048xf32> to vector<256x2048xf32>
    %min3A_449 = arith.minimumf %min3A_447, %min3A_448 : vector<256x2048xf32>
    %slice3A_450 = vector.extract_strided_slice %add3A_187 {offsets = [1280, 0], sizes = [256, 1], strides = [1, 1]} : vector<2048x1xf32> to vector<256x1xf32>
    %min3A_451 = vector.broadcast %slice3A_450 : vector<256x1xf32> to vector<256x2048xf32>
    %min3A_452 = vector.broadcast %add3A_183 : vector<1x2048xf32> to vector<256x2048xf32>
    %min3A_453 = arith.minimumf %min3A_451, %min3A_452 : vector<256x2048xf32>
    %sub3A_454 = arith.subf %min3A_449, %max3A_441 : vector<256x2048xf32>
    %max3A_455 = arith.constant 0.000000e+00 : f32
    %max3A_456 = vector.broadcast %max3A_455 : f32 to vector<256x2048xf32>
    %max3A_457 = arith.maximumf %sub3A_454, %max3A_456 : vector<256x2048xf32>
    %sub3A_458 = arith.subf %min3A_453, %max3A_445 : vector<256x2048xf32>
    %max3A_459 = arith.constant 0.000000e+00 : f32
    %max3A_460 = vector.broadcast %max3A_459 : f32 to vector<256x2048xf32>
    %max3A_461 = arith.maximumf %sub3A_458, %max3A_460 : vector<256x2048xf32>
    %mul3A_462 = arith.mulf %max3A_457, %max3A_461 : vector<256x2048xf32>
    %slice3A_463 = vector.extract_strided_slice %mul3A_193 {offsets = [1280, 0], sizes = [256, 1], strides = [1, 1]} : vector<2048x1xf32> to vector<256x1xf32>
    %add3A_464 = vector.broadcast %slice3A_463 : vector<256x1xf32> to vector<256x2048xf32>
    %add3A_465 = vector.broadcast %mul3A_190 : vector<1x2048xf32> to vector<256x2048xf32>
    %add3A_466 = arith.addf %add3A_464, %add3A_465 : vector<256x2048xf32>
    %sub3A_467 = arith.subf %add3A_466, %mul3A_462 : vector<256x2048xf32>
    %add3A_468 = arith.constant 9.99999997E-7 : f32
    %add3A_469 = vector.broadcast %add3A_468 : f32 to vector<256x2048xf32>
    %add3A_470 = arith.addf %sub3A_467, %add3A_469 : vector<256x2048xf32>
    %div3A_471 = arith.divf %mul3A_462, %add3A_470 : vector<256x2048xf32>
    %iota3A_472 = tpu.iota {dimensions = array<i32: 0>} : vector<256x2048xi32>
    %add3A_473 = arith.constant 1280 : i32
    %add3A_474 = vector.broadcast %add3A_473 : i32 to vector<256x2048xi32>
    %add3A_475 = arith.addi %iota3A_472, %add3A_474 : vector<256x2048xi32>
    %iota3A_476 = tpu.iota {dimensions = array<i32: 1>} : vector<256x2048xi32>
    %gt3A_477 = arith.constant 0.699999988 : f32
    %gt3A_478 = vector.broadcast %gt3A_477 : f32 to vector<256x2048xf32>
    %gt3A_479 = arith.cmpf ogt, %div3A_471, %gt3A_478 : vector<256x2048xf32>
    %gt3A_480 = arith.cmpi sgt, %iota3A_476, %add3A_475 : vector<256x2048xi32>
    %and3A_481 = arith.andi %gt3A_479, %gt3A_480 : vector<256x2048xi1>
    %convert_element_type3A_482 = arith.extui %and3A_481 : vector<256x2048xi1> to vector<256x2048xi32>
    %convert_element_type3A_483 = arith.sitofp %convert_element_type3A_482 : vector<256x2048xi32> to vector<256x2048xf32>
    %convert_element_type3A_484 = arith.truncf %convert_element_type3A_483 : vector<256x2048xf32> to vector<256x2048xbf16>
    %swap3A_485 = arith.constant 1280 : index
    %swap3A_486 = arith.constant 0 : index
    %swap3A_487 = vector.load %arg8[%swap3A_485, %swap3A_486] : memref<2048x2048xbf16, #tpu.memory_space<vmem>>, vector<256x2048xbf16>
    tpu.vector_store %arg8[%swap3A_485, %swap3A_486], %convert_element_type3A_484 {strides = array<i32>} : memref<2048x2048xbf16, #tpu.memory_space<vmem>>, vector<256x2048xbf16>,
    %slice3A_488 = vector.extract_strided_slice %add3A_184 {offsets = [1536, 0], sizes = [256, 1], strides = [1, 1]} : vector<2048x1xf32> to vector<256x1xf32>
    %max3A_489 = vector.broadcast %slice3A_488 : vector<256x1xf32> to vector<256x2048xf32>
    %max3A_490 = vector.broadcast %add3A_180 : vector<1x2048xf32> to vector<256x2048xf32>
    %max3A_491 = arith.maximumf %max3A_489, %max3A_490 : vector<256x2048xf32>
    %slice3A_492 = vector.extract_strided_slice %add3A_185 {offsets = [1536, 0], sizes = [256, 1], strides = [1, 1]} : vector<2048x1xf32> to vector<256x1xf32>
    %max3A_493 = vector.broadcast %slice3A_492 : vector<256x1xf32> to vector<256x2048xf32>
    %max3A_494 = vector.broadcast %add3A_181 : vector<1x2048xf32> to vector<256x2048xf32>
    %max3A_495 = arith.maximumf %max3A_493, %max3A_494 : vector<256x2048xf32>
    %slice3A_496 = vector.extract_strided_slice %add3A_186 {offsets = [1536, 0], sizes = [256, 1], strides = [1, 1]} : vector<2048x1xf32> to vector<256x1xf32>
    %min3A_497 = vector.broadcast %slice3A_496 : vector<256x1xf32> to vector<256x2048xf32>
    %min3A_498 = vector.broadcast %add3A_182 : vector<1x2048xf32> to vector<256x2048xf32>
    %min3A_499 = arith.minimumf %min3A_497, %min3A_498 : vector<256x2048xf32>
    %slice3A_500 = vector.extract_strided_slice %add3A_187 {offsets = [1536, 0], sizes = [256, 1], strides = [1, 1]} : vector<2048x1xf32> to vector<256x1xf32>
    %min3A_501 = vector.broadcast %slice3A_500 : vector<256x1xf32> to vector<256x2048xf32>
    %min3A_502 = vector.broadcast %add3A_183 : vector<1x2048xf32> to vector<256x2048xf32>
    %min3A_503 = arith.minimumf %min3A_501, %min3A_502 : vector<256x2048xf32>
    %sub3A_504 = arith.subf %min3A_499, %max3A_491 : vector<256x2048xf32>
    %max3A_505 = arith.constant 0.000000e+00 : f32
    %max3A_506 = vector.broadcast %max3A_505 : f32 to vector<256x2048xf32>
    %max3A_507 = arith.maximumf %sub3A_504, %max3A_506 : vector<256x2048xf32>
    %sub3A_508 = arith.subf %min3A_503, %max3A_495 : vector<256x2048xf32>
    %max3A_509 = arith.constant 0.000000e+00 : f32
    %max3A_510 = vector.broadcast %max3A_509 : f32 to vector<256x2048xf32>
    %max3A_511 = arith.maximumf %sub3A_508, %max3A_510 : vector<256x2048xf32>
    %mul3A_512 = arith.mulf %max3A_507, %max3A_511 : vector<256x2048xf32>
    %slice3A_513 = vector.extract_strided_slice %mul3A_193 {offsets = [1536, 0], sizes = [256, 1], strides = [1, 1]} : vector<2048x1xf32> to vector<256x1xf32>
    %add3A_514 = vector.broadcast %slice3A_513 : vector<256x1xf32> to vector<256x2048xf32>
    %add3A_515 = vector.broadcast %mul3A_190 : vector<1x2048xf32> to vector<256x2048xf32>
    %add3A_516 = arith.addf %add3A_514, %add3A_515 : vector<256x2048xf32>
    %sub3A_517 = arith.subf %add3A_516, %mul3A_512 : vector<256x2048xf32>
    %add3A_518 = arith.constant 9.99999997E-7 : f32
    %add3A_519 = vector.broadcast %add3A_518 : f32 to vector<256x2048xf32>
    %add3A_520 = arith.addf %sub3A_517, %add3A_519 : vector<256x2048xf32>
    %div3A_521 = arith.divf %mul3A_512, %add3A_520 : vector<256x2048xf32>
    %iota3A_522 = tpu.iota {dimensions = array<i32: 0>} : vector<256x2048xi32>
    %add3A_523 = arith.constant 1536 : i32
    %add3A_524 = vector.broadcast %add3A_523 : i32 to vector<256x2048xi32>
    %add3A_525 = arith.addi %iota3A_522, %add3A_524 : vector<256x2048xi32>
    %iota3A_526 = tpu.iota {dimensions = array<i32: 1>} : vector<256x2048xi32>
    %gt3A_527 = arith.constant 0.699999988 : f32
    %gt3A_528 = vector.broadcast %gt3A_527 : f32 to vector<256x2048xf32>
    %gt3A_529 = arith.cmpf ogt, %div3A_521, %gt3A_528 : vector<256x2048xf32>
    %gt3A_530 = arith.cmpi sgt, %iota3A_526, %add3A_525 : vector<256x2048xi32>
    %and3A_531 = arith.andi %gt3A_529, %gt3A_530 : vector<256x2048xi1>
    %convert_element_type3A_532 = arith.extui %and3A_531 : vector<256x2048xi1> to vector<256x2048xi32>
    %convert_element_type3A_533 = arith.sitofp %convert_element_type3A_532 : vector<256x2048xi32> to vector<256x2048xf32>
    %convert_element_type3A_534 = arith.truncf %convert_element_type3A_533 : vector<256x2048xf32> to vector<256x2048xbf16>
    %swap3A_535 = arith.constant 1536 : index
    %swap3A_536 = arith.constant 0 : index
    %swap3A_537 = vector.load %arg8[%swap3A_535, %swap3A_536] : memref<2048x2048xbf16, #tpu.memory_space<vmem>>, vector<256x2048xbf16>
    tpu.vector_store %arg8[%swap3A_535, %swap3A_536], %convert_element_type3A_534 {strides = array<i32>} : memref<2048x2048xbf16, #tpu.memory_space<vmem>>, vector<256x2048xbf16>,
    %slice3A_538 = vector.extract_strided_slice %add3A_184 {offsets = [1792, 0], sizes = [256, 1], strides = [1, 1]} : vector<2048x1xf32> to vector<256x1xf32>
    %max3A_539 = vector.broadcast %slice3A_538 : vector<256x1xf32> to vector<256x2048xf32>
    %max3A_540 = vector.broadcast %add3A_180 : vector<1x2048xf32> to vector<256x2048xf32>
    %max3A_541 = arith.maximumf %max3A_539, %max3A_540 : vector<256x2048xf32>
    %slice3A_542 = vector.extract_strided_slice %add3A_185 {offsets = [1792, 0], sizes = [256, 1], strides = [1, 1]} : vector<2048x1xf32> to vector<256x1xf32>
    %max3A_543 = vector.broadcast %slice3A_542 : vector<256x1xf32> to vector<256x2048xf32>
    %max3A_544 = vector.broadcast %add3A_181 : vector<1x2048xf32> to vector<256x2048xf32>
    %max3A_545 = arith.maximumf %max3A_543, %max3A_544 : vector<256x2048xf32>
    %slice3A_546 = vector.extract_strided_slice %add3A_186 {offsets = [1792, 0], sizes = [256, 1], strides = [1, 1]} : vector<2048x1xf32> to vector<256x1xf32>
    %min3A_547 = vector.broadcast %slice3A_546 : vector<256x1xf32> to vector<256x2048xf32>
    %min3A_548 = vector.broadcast %add3A_182 : vector<1x2048xf32> to vector<256x2048xf32>
    %min3A_549 = arith.minimumf %min3A_547, %min3A_548 : vector<256x2048xf32>
    %slice3A_550 = vector.extract_strided_slice %add3A_187 {offsets = [1792, 0], sizes = [256, 1], strides = [1, 1]} : vector<2048x1xf32> to vector<256x1xf32>
    %min3A_551 = vector.broadcast %slice3A_550 : vector<256x1xf32> to vector<256x2048xf32>
    %min3A_552 = vector.broadcast %add3A_183 : vector<1x2048xf32> to vector<256x2048xf32>
    %min3A_553 = arith.minimumf %min3A_551, %min3A_552 : vector<256x2048xf32>
    %sub3A_554 = arith.subf %min3A_549, %max3A_541 : vector<256x2048xf32>
    %max3A_555 = arith.constant 0.000000e+00 : f32
    %max3A_556 = vector.broadcast %max3A_555 : f32 to vector<256x2048xf32>
    %max3A_557 = arith.maximumf %sub3A_554, %max3A_556 : vector<256x2048xf32>
    %sub3A_558 = arith.subf %min3A_553, %max3A_545 : vector<256x2048xf32>
    %max3A_559 = arith.constant 0.000000e+00 : f32
    %max3A_560 = vector.broadcast %max3A_559 : f32 to vector<256x2048xf32>
    %max3A_561 = arith.maximumf %sub3A_558, %max3A_560 : vector<256x2048xf32>
    %mul3A_562 = arith.mulf %max3A_557, %max3A_561 : vector<256x2048xf32>
    %slice3A_563 = vector.extract_strided_slice %mul3A_193 {offsets = [1792, 0], sizes = [256, 1], strides = [1, 1]} : vector<2048x1xf32> to vector<256x1xf32>
    %add3A_564 = vector.broadcast %slice3A_563 : vector<256x1xf32> to vector<256x2048xf32>
    %add3A_565 = vector.broadcast %mul3A_190 : vector<1x2048xf32> to vector<256x2048xf32>
    %add3A_566 = arith.addf %add3A_564, %add3A_565 : vector<256x2048xf32>
    %sub3A_567 = arith.subf %add3A_566, %mul3A_562 : vector<256x2048xf32>
    %add3A_568 = arith.constant 9.99999997E-7 : f32
    %add3A_569 = vector.broadcast %add3A_568 : f32 to vector<256x2048xf32>
    %add3A_570 = arith.addf %sub3A_567, %add3A_569 : vector<256x2048xf32>
    %div3A_571 = arith.divf %mul3A_562, %add3A_570 : vector<256x2048xf32>
    %iota3A_572 = tpu.iota {dimensions = array<i32: 0>} : vector<256x2048xi32>
    %add3A_573 = arith.constant 1792 : i32
    %add3A_574 = vector.broadcast %add3A_573 : i32 to vector<256x2048xi32>
    %add3A_575 = arith.addi %iota3A_572, %add3A_574 : vector<256x2048xi32>
    %iota3A_576 = tpu.iota {dimensions = array<i32: 1>} : vector<256x2048xi32>
    %gt3A_577 = arith.constant 0.699999988 : f32
    %gt3A_578 = vector.broadcast %gt3A_577 : f32 to vector<256x2048xf32>
    %gt3A_579 = arith.cmpf ogt, %div3A_571, %gt3A_578 : vector<256x2048xf32>
    %gt3A_580 = arith.cmpi sgt, %iota3A_576, %add3A_575 : vector<256x2048xi32>
    %and3A_581 = arith.andi %gt3A_579, %gt3A_580 : vector<256x2048xi1>
    %convert_element_type3A_582 = arith.extui %and3A_581 : vector<256x2048xi1> to vector<256x2048xi32>
    %convert_element_type3A_583 = arith.sitofp %convert_element_type3A_582 : vector<256x2048xi32> to vector<256x2048xf32>
    %convert_element_type3A_584 = arith.truncf %convert_element_type3A_583 : vector<256x2048xf32> to vector<256x2048xbf16>
    %swap3A_585 = arith.constant 1792 : index
    %swap3A_586 = arith.constant 0 : index
    %swap3A_587 = vector.load %arg8[%swap3A_585, %swap3A_586] : memref<2048x2048xbf16, #tpu.memory_space<vmem>>, vector<256x2048xbf16>
    tpu.vector_store %arg8[%swap3A_585, %swap3A_586], %convert_element_type3A_584 {strides = array<i32>} : memref<2048x2048xbf16, #tpu.memory_space<vmem>>, vector<256x2048xbf16>,
    %broadcast_in_dim3A = arith.constant 1.000000e+00 : f32
    %broadcast_in_dim3A_588 = vector.broadcast %broadcast_in_dim3A : f32 to vector<8x2048xf32>
    %swap3A_589 = arith.constant 0 : index
    %swap3A_590 = arith.constant 0 : index
    %swap3A_591 = vector.load %arg9[%swap3A_589, %swap3A_590] : memref<8x2048xf32, #tpu.memory_space<vmem>>, vector<8x2048xf32>
    tpu.vector_store %arg9[%swap3A_589, %swap3A_590], %broadcast_in_dim3A_588 {strides = array<i32>} : memref<8x2048xf32, #tpu.memory_space<vmem>>, vector<8x2048xf32>,
    %while3A = arith.constant 0 : i32
    %while3A_592 = arith.constant true
    %while3A_593:2 = scf.while (%while3A_610 = %while3A, %while3A_611 = %while3A_592) : (i32, i1) -> (i32, i1) {
      scf.condition(%while3A_611) %while3A_610, %while3A_611 : i32, i1
    } do {
    ^bb0(%while3A_610: i32, %while3A_611: i1):
      %get3A_612 = arith.constant 0 : index
      %get3A_613 = arith.constant 0 : index
      %get3A_614 = vector.load %arg9[%get3A_612, %get3A_613] : memref<8x2048xf32, #tpu.memory_space<vmem>>, vector<8x2048xf32>
      %convert_element_type3A_615 = arith.truncf %get3A_614 : vector<8x2048xf32> to vector<8x2048xbf16>
      %get3A_616 = arith.constant 0 : index
      %get3A_617 = arith.constant 0 : index
      %get3A_618 = vector.load %arg8[%get3A_616, %get3A_617] : memref<2048x2048xbf16, #tpu.memory_space<vmem>>, vector<2048x2048xbf16>
      %dot_general3A = arith.constant dense<0.000000e+00> : vector<8x2048xf32>
      %dot_general3A_619 = tpu.matmul %convert_element_type3A_615, %get3A_618, %dot_general3A {dimension_numbers = #tpu.dot_dimension_numbers<[1], [0], [0], [1], [0, 0, 1, 1], [], []>, transpose_lhs_hint = false} : vector<8x2048xbf16>, vector<2048x2048xbf16>, vector<8x2048xf32> -> vector<8x2048xf32>
      %eq3A = arith.constant 0.000000e+00 : f32
      %eq3A_620 = vector.broadcast %eq3A : f32 to vector<8x2048xf32>
      %eq3A_621 = arith.cmpf oeq, %dot_general3A_619, %eq3A_620 : vector<8x2048xf32>
      %convert_element_type3A_622 = arith.extui %eq3A_621 : vector<8x2048xi1> to vector<8x2048xi32>
      %convert_element_type3A_623 = arith.sitofp %convert_element_type3A_622 : vector<8x2048xi32> to vector<8x2048xf32>
      %ne3A = arith.cmpf one, %convert_element_type3A_623, %get3A_614 : vector<8x2048xf32>
      %reduce_or3A = arith.constant 1.000000e+00 : f32
      %reduce_or3A_624 = arith.constant 0.000000e+00 : f32
      %reduce_or3A_625 = vector.broadcast %reduce_or3A : f32 to vector<8x2048xf32>
      %reduce_or3A_626 = vector.broadcast %reduce_or3A_624 : f32 to vector<8x2048xf32>
      %reduce_or3A_627 = arith.select %ne3A, %reduce_or3A_625, %reduce_or3A_626 : vector<8x2048xi1>, vector<8x2048xf32>
      %reduce_or3A_628 = vector.shape_cast %reduce_or3A_627 : vector<8x2048xf32> to vector<1x8x2048xf32>
      %reduce_or3A_629 = arith.constant dense<0xFF800000> : vector<1xf32>
      %reduce_or3A_630 = vector.multi_reduction <maximumf>, %reduce_or3A_628, %reduce_or3A_629 [1, 2] : vector<1x8x2048xf32> to vector<1xf32>
      %reduce_or3A_631 = vector.shape_cast %reduce_or3A_630 : vector<1xf32> to vector<1x1x1xf32>
      %reduce_or3A_632 = vector.extract %reduce_or3A_631[0, 0, 0] : f32 from vector<1x1x1xf32>
      %reduce_or3A_633 = arith.constant 0.000000e+00 : f32
      %reduce_or3A_634 = arith.cmpf ogt, %reduce_or3A_632, %reduce_or3A_633 : f32
      %swap3A_635 = arith.constant 0 : index
      %swap3A_636 = arith.constant 0 : index
      %swap3A_637 = vector.load %arg9[%swap3A_635, %swap3A_636] : memref<8x2048xf32, #tpu.memory_space<vmem>>, vector<8x2048xf32>
      tpu.vector_store %arg9[%swap3A_635, %swap3A_636], %convert_element_type3A_623 {strides = array<i32>} : memref<8x2048xf32, #tpu.memory_space<vmem>>, vector<8x2048xf32>,
      %add3A_638 = arith.constant 1 : i32
      %add3A_639 = arith.addi %while3A_610, %add3A_638 : i32
      scf.yield %add3A_639, %reduce_or3A_634 : i32, i1
    }
    %get3A_594 = arith.constant 0 : index
    %get3A_595 = arith.constant 0 : index
    %get3A_596 = vector.load %arg9[%get3A_594, %get3A_595] : memref<8x2048xf32, #tpu.memory_space<vmem>>, vector<1x2048xf32>
    %mul3A_597 = arith.mulf %min3A_44, %get3A_596 : vector<1x2048xf32>
    %mul3A_598 = arith.mulf %min3A_54, %get3A_596 : vector<1x2048xf32>
    %mul3A_599 = arith.mulf %min3A_64, %get3A_596 : vector<1x2048xf32>
    %mul3A_600 = arith.mulf %min3A_74, %get3A_596 : vector<1x2048xf32>
    %get3A_601 = arith.constant 0 : index
    %get3A_602 = arith.constant 0 : index
    %get3A_603 = vector.load %arg4[%get3A_601, %get3A_602] : memref<1x2048xf32, #tpu.memory_space<vmem>>, vector<1x2048xf32>
    %mul3A_604 = arith.mulf %get3A_603, %get3A_596 : vector<1x2048xf32>
    %broadcast_in_dim3A_605 = arith.constant 0.000000e+00 : f32
    %broadcast_in_dim3A_606 = vector.broadcast %broadcast_in_dim3A_605 : f32 to vector<3x2048xf32>
    %concatenate3A = tpu.concatenate %mul3A_597, %mul3A_598, %mul3A_599, %mul3A_600, %mul3A_604, %broadcast_in_dim3A_606 in 0 : vector<1x2048xf32>, vector<1x2048xf32>, vector<1x2048xf32>, vector<1x2048xf32>, vector<1x2048xf32>, vector<3x2048xf32> -> vector<8x2048xf32>
    %swap3A_607 = arith.constant 0 : index
    %swap3A_608 = arith.constant 0 : index
    %swap3A_609 = vector.load %arg7[%swap3A_607, %swap3A_608] : memref<8x2048xf32, #tpu.memory_space<vmem>>, vector<8x2048xf32>
    tpu.vector_store %arg7[%swap3A_607, %swap3A_608], %concatenate3A {strides = array<i32>} : memref<8x2048xf32, #tpu.memory_space<vmem>>, vector<8x2048xf32>,
    return
  }
}

</mosaic_0001>

<sc_bundles>
// kernel: gather_offload_async_start.1
scs
__scs_entry_jumppad:
0x0: {  	(pc) =	sbr.rel $0x88, $3  }
0x1: {  	(tag) =	ssettag $0x0;
	lr =	simm.s32 $0x1  }
0x2: {  	[smem:$0x3F9D] =	sst lr;
	_ =	strace $0xD0000000  }
0x3: {  	_ = 	snop  }
0x4: {  	_ = 	snop  }
0x5: {  	_ = 	snop  }
0x6: {  	_ = 	snop  }
0x7: {  	_ = 	snop  }
__scs_overlays_trampoline_lowered:
0x8: {  	[smem:$0x3FAC] =	sst s0  }
0x9: {  	[smem:$0x3FAD] =	sst s1  }
0xa: {  	[smem:$0x3FAE] =	sst s2  }
0xb: {  	[smem:$0x3FAF] =	sst s3  }
0xc: {  	[smem:$0x3FB0] =	sst s4  }
0xd: {  	[smem:$0x3FB1] =	sst s5  }
0xe: {  	[smem:$0x3FB2] =	sst s6  }
0xf: {  	[smem:$0x3FB3] =	sst s7  }
0x10: {  	[smem:$0x3FB4] =	sst s8  }
0x11: {  	[smem:$0x3FB5] =	sst s9;
	s0 =	simm.s32 @!p0 $0x0  }
0x12: {  	s1 =	sld [smem:$0x3F9B];
	s0 =	simm.s32 @p0 $0x1  }
0x13: {  	[smem:$0x3FB6] =	sst s0;
	s0 =	simm.s32 @!p1 $0x0  }
0x14: {  	s2 =	sld [smem:$0x3F9A];
	s0 =	simm.s32 @p1 $0x1  }
0x15: {  	[smem:$0x3FB7] =	sst s0;
	s0 =	simm.s32 @!p2 $0x0  }
0x16: {  	s3 =	sld [smem:$0x3FDB];
	s0 =	simm.s32 @p2 $0x1  }
0x17: {  	s4 =	simm.s32 $0x1BF5;
	[smem:$0x3FB9] =	sst s0  }
0x18: {  	s0 =	sld [smem:$0x3F9C];
	_ =	swait.ge [sflag:s4], $0x0  }
0x19: {  	s7 =	sld [smem:$0x3F9D]  }
0x1a: {  	s8 =	sadd.s32 $0xFFFFE003, lr  }
0x1b: {  	s9 =	sadd.s32 $0xFFFFFEF7, lr;
	s5 =	simm.s32 $0xFFFFFFFF;
	p2 =	slt.u32 s8, $0xFFFFF086  }
0x1c: {  	p1 =	slt.u32 s9, $0xF7A;
	s5 =	simm.s32 @!p2 $0x0  }
0x1d: {  	s5 =	simm.s32 @p1 $0x1;
	p0 =	seq.s32 s7, s2  }
0x1e: {  	s7 =	smul.u32 @!p0 $0xF7A, s2;
	p2 =	seq.s32 @!p0 s5, $0x0  }
0x1f: {  	s9 =	smul.u32 $0xF7A, s1;
	s8 =	simm.s32 @!p0 $0x1BF5;
	p2 =	por !p2, p0  }
0x20: {  	[sflag:s8] =	ssyncset.s32 @!p0 $0xFFFFF086;
	s6 =	sadd.s32 @!p0 s3, s7;
	s7 =	simm.s32 @!p0 $0x108  }
0x21: {  	s3 =	sadd.s32 s3, s9;
	s6 =	sadd.s32 @!p0 $0x88, s6;
	s7 =	simm.s32 @p2 $0x1082  }
0x22: {  	[simem:s7], [sflag:s8] =	dma.local @!p0 [hbm:s6], $0xF7A  }
0x23: {  	s9 =	sor.u32 $0xD0000000, s2;
	s6 =	simm.s32 $0x108;
	_ =	swait.ge @!p0 [sflag:s8], $0x0  }
0x24: {  	s3 =	sadd.s32 $0x88, s3;
	s6 =	simm.s32 @!p1 $0x1082;
	[sflag:s4] =	ssyncset.s32 $0xFFFFF086  }
0x25: {  	[simem:s6], [sflag:s4] =	dma.local [hbm:s3], $0xF7A  }
0x26: {  	[smem:$0x3F9D] =	sst s1;
	(tag) =	ssettag s2;
	_ =	strace s9  }
0x27: {  	s1 =	sld [smem:$0x3FAD]  }
0x28: {  	s2 =	sld [smem:$0x3FAE]  }
0x29: {  	s4 =	sld [smem:$0x3FB0]  }
0x2a: {  	p0 =	seq.s32 s5, $0x0;
	s5 =	sld [smem:$0x3FB1]  }
0x2b: {  	s6 =	sld [smem:$0x3FB2]  }
0x2c: {  	s7 =	sld [smem:$0x3FB3]  }
0x2d: {  	s3 =	simm.s32 $0x108;
	s8 =	sld [smem:$0x3FB4]  }
0x2e: {  	s3 =	simm.s32 @!p0 $0x1082;
	s9 =	sld [smem:$0x3FB5]  }
0x2f: {  	lr =	sadd.s32 s0, s3;
	s0 =	sld [smem:$0x3FAC]  }
0x30: {  	s3 =	sld [smem:$0x3FAF]  }
0x31: {  	[smem:$0x3FB8] =	sst s10  }
0x32: {  	s10 =	sld [smem:$0x3FB6];
	_ =	sdelay $0x3  }
0x33: {  	p0 =	seq.s32 s10, $0x1;
	s10 =	sld [smem:$0x3FB8];
	_ =	sdelay $0x3  }
0x34: {  	[smem:$0x3FB8] =	sst s10  }
0x35: {  	s10 =	sld [smem:$0x3FB7];
	_ =	sdelay $0x3  }
0x36: {  	p1 =	seq.s32 s10, $0x1;
	s10 =	sld [smem:$0x3FB8];
	_ =	sdelay $0x3  }
0x37: {  	[smem:$0x3FB8] =	sst s10  }
0x38: {  	s10 =	sld [smem:$0x3FB9]  }
0x39: {  	_ = 	snop;
	(pc) =	sbr.ind lr, $3  }
0x3a: {  	_ = 	snop  }
0x3b: {  	_ = 	snop  }
0x3c: {  	p2 =	seq.s32 s10, $0x1;
	s10 =	sld [smem:$0x3FB8]  }
0x3d: {  	_ =	shalt  }
0x3e: {  	_ =	shalt  }
0x3f: {  	_ =	shalt  }
0x40: {  	_ =	shalt  }
0x41: {  	_ =	shalt  }
0x42: {  	_ =	shalt  }
0x43: {  	_ =	shalt  }
0x44: {  	_ =	shalt  }
0x45: {  	_ =	shalt  }
0x46: {  	_ =	shalt  }
0x47: {  	_ =	shalt  }
0x48: {  	_ =	shalt  }
0x49: {  	_ =	shalt  }
0x4a: {  	_ =	shalt  }
0x4b: {  	_ =	shalt  }
0x4c: {  	_ =	shalt  }
0x4d: {  	_ =	shalt  }
0x4e: {  	_ =	shalt  }
0x4f: {  	_ =	shalt  }
0x50: {  	_ =	shalt  }
0x51: {  	_ =	shalt  }
0x52: {  	_ =	shalt  }
0x53: {  	_ =	shalt  }
0x54: {  	_ =	shalt  }
0x55: {  	_ =	shalt  }
0x56: {  	_ =	shalt  }
0x57: {  	_ =	shalt  }
0x58: {  	_ =	shalt  }
0x59: {  	_ =	shalt  }
0x5a: {  	_ =	shalt  }
0x5b: {  	_ =	shalt  }
0x5c: {  	_ =	shalt  }
0x5d: {  	_ =	shalt  }
0x5e: {  	_ =	shalt  }
0x5f: {  	_ =	shalt  }
0x60: {  	_ =	shalt  }
0x61: {  	_ =	shalt  }
0x62: {  	_ =	shalt  }
0x63: {  	_ =	shalt  }
0x64: {  	_ =	shalt  }
0x65: {  	_ =	shalt  }
0x66: {  	_ =	shalt  }
0x67: {  	_ =	shalt  }
0x68: {  	_ =	shalt  }
0x69: {  	_ =	shalt  }
0x6a: {  	_ =	shalt  }
0x6b: {  	_ =	shalt  }
0x6c: {  	_ =	shalt  }
0x6d: {  	_ =	shalt  }
0x6e: {  	_ =	shalt  }
0x6f: {  	_ =	shalt  }
0x70: {  	_ =	shalt  }
0x71: {  	_ =	shalt  }
0x72: {  	_ =	shalt  }
0x73: {  	_ =	shalt  }
0x74: {  	_ =	shalt  }
0x75: {  	_ =	shalt  }
0x76: {  	_ =	shalt  }
0x77: {  	_ =	shalt  }
0x78: {  	_ =	shalt  }
0x79: {  	_ =	shalt  }
0x7a: {  	_ =	shalt  }
0x7b: {  	_ =	shalt  }
0x7c: {  	_ =	shalt  }
0x7d: {  	_ =	shalt  }
0x7e: {  	_ =	shalt  }
0x7f: {  	_ =	shalt  }
0x80: {  	_ =	shalt  }
0x81: {  	_ =	shalt  }
0x82: {  	_ =	shalt  }
0x83: {  	_ =	shalt  }
0x84: {  	_ =	shalt  }
0x85: {  	_ =	shalt  }
0x86: {  	_ =	shalt  }
0x87: {  	_ =	shalt  }
.Lfunc_end0:
.L_simem_size_0:
called_computation.1_lowered:
.L_overlay_start_0:
0x88: {  	s0 =	sld [smem:$0x3FD9]  }
0x89: {  	s1 =	sld [smem:$0x3FFE];
	_ =	sdelay $0x3  }
0x8a: {  	s0 =	sadd.s32 s1, s0  }
0x8b: {  	[smem:$0x3FC4] =	sst s0  }
0x8c: {  	_ = 	snop  }
0x8d: {  	s0 =	sld [smem:$0x3FD0];
	(tm) =	ssettm $0x1  }
0x8e: {  	s16 =	sld [smem:$0x3FFB];
	_ =	sdelay $0x3  }
0x8f: {  	_ =	strace s16  }
0x90: {  	s1 =	sld [smem:$0x3FFC];
	_ =	sdelay $0x3  }
0x91: {  	_ =	strace s1  }
0x92: {  	s1 =	sld [smem:$0x3FFD];
	_ =	sdelay $0x3  }
0x93: {  	_ =	strace s1  }
0x94: {  	_ =	strace $0x8FFFFFFF  }
0x95: {  	s17 =	sld [smem:$0x3FDB];
	_ =	sdelay $0x1  }
0x96: {  	s2 =	simm.s32 $_scs_section_size  }
0x97: {  	s3 =	simm.s32 $_size__tile_overlayer_lowered;
	s4 =	simm.s32 $_tile_overlayer_lowered  }
0x98: {  	s20 =	simm.s32 $0x1BFF;
	s19 =	sshll.u32 s4, $0x1;
	s1 =	sadd.s32 s2, s17  }
0x99: {  	s5 =	simm.s32 $0x0;
	s18 =	sshll.u32 s3, $0x1;
	s3 =	sadd.s32 s19, s1  }
0x9a: {  	[timem:s5], [sflag:s20] =	dma.local [hbm:s3], s18  }
0x9b: {  	_ =	swait.ge [sflag:s20], s18  }
0x9c: {  	s2 =	ssub.s32 $0x0, s18;
	[sflag:s20] =	ssyncset.done $0x0  }
0x9d: {  	[sflag:s20] =	ssyncadd.s32 s2;
	_ =	sdelay $0x1  }
0x9e: {  	s21 =	simm.s32 $0x1B8B  }
0x9f: {  	_ =	swait.ge [sflag:s21], $0x1  }
0xa0: {  	[sflag:s21] =	ssyncset.done $0x0  }
0xa1: {  	s23 =	simm.s32 $0x1B8E;
	s22 =	sld [smem:$0x3FFE];
	[sflag:s21] =	ssyncadd.s32 $0xFFFFFFFF  }
0xa2: {  	s24 =	simm.s32 $execute0_lowered;
	[smem:$0x3FD2] =	sst s23  }
0xa3: {  	s3 =	sshll.u32 s24, $0x1;
	_ =	strace $0x80000049;
	[dreg:$0x1] =	wrdreg $0xFFFFFFFF  }
0xa4: {  	s25 =	simm.s32 $_size_execute0_lowered;
	s1 =	sadd.s32 s1, s3;
	[dreg:$0x0] =	wrdreg $0x0  }
0xa5: {  	s3 =	sshll.u32 s25, $0x1;
	[dreg:$0x2] =	wrdreg s1  }
0xa6: {  	[dreg:$0x3] =	wrdreg s3  }
0xa7: {  	[dreg:$0x4] =	wrdreg $0xC0  }
0xa8: {  	_ =	task [dreg:s5], $0x5FFFF  }
0xa9: {  	[dreg:$0x1] =	wrdreg $0xFFFFFFFF  }
0xaa: {  	[dreg:$0x0] =	wrdreg $0x60  }
0xab: {  	[dreg:$0x2] =	wrdreg s22  }
0xac: {  	[dreg:$0x3] =	wrdreg s0  }
0xad: {  	[dreg:$0x4] =	wrdreg $0xA  }
0xae: {  	_ =	task.clear_ibuf [dreg:s5], $0x5FFFF;
	_ =	strace $0x90000049  }
0xaf: {  	s26 =	simm.s32 $0xA;
	_ =	strace $0x8000004B  }
0xb0: {  	_ =	swait.ge [sflag:s26], $0x1  }
0xb1: {  	[sflag:s26] =	ssyncadd.s32 $0xFFFFFFFF  }
0xb2: {  	_ =	strace $0x9000004B  }
0xb3: {  	_ =	sfence  }
0xb4: {  	s28 =	sld [smem:$0x0];
	_ =	sdelay $0x1  }
0xb5: {  	s29 =	srdreg.scid  }
0xb6: {  	s30 =	sshll.u32 s29, $0xD;
	s31 =	sshrl.u32 s29, $0x2  }
0xb7: {  	s2 =	sand.u32 $0x4000, s30;
	s1 =	sand.u32 $0x1, s29;
	s0 =	sadd.s32 s31, s28  }
0xb8: {  	s1 =	sor.u32 s2, s1;
	s0 =	sshll.u32 s0, $0x11  }
0xb9: {  	s0 =	sor.u32 s0, s1  }
0xba: {  	s0 =	sadd.s32 $0x8F2B, s0  }
0xbb: {  	[sflag:s0] =	ssyncadd.remote.s32 $0x1  }
0xbc: {  	_ =	sfence.sel $0xFFFF  }
0xbd: {  	[dreg:$0x0] =	wrdreg $0xFFFFFFFF;
	(pc) =	sbr.abs _section_cstart, $3  }
0xbe: {  	[dreg:$0x1] =	wrdreg $0xFFFFFFFF  }
0xbf: {  	_ =	task.clear_ibuf [dreg:s5], $0x2FFFF;
	_ =	strace $0x9FFFFFFF  }
0xc0: {  	(tm) =	ssettm $0x7FFFFFFF  }
0xc1: {  	_ =	shalt  }
tec
execute0_lowered:
.L_overlay_start_1:
0x0: {  	(tag) =	ssettag $0x1  }
0x1: {  	s0 =	stileid.u32  }
0x2: {  	s1 =	smin.u32 s0, $0x9  }
0x3: {  	s1 =	sadd.s32 s0, s1  }
0x4: {  	s2 =	simm.s32 $0xA0;
	p0 =	slt.u32 s0, $0x9;
	s1 =	smul.u32 $0x50, s1  }
0x5: {  	s2 =	simm.s32 @!p0 $0x50  }
0x6: {  	s2 =	sadd.s32 s2, s1  }
0x7: {  	s3 =	smin.u32 s2, $0x7D0  }
0x8: {  	s7 =	ssub.s32 s3, s1  }
0x9: {  	p0 =	sgt.s32 s7, $0x0  }
0xa: {  	s7 =	simm.s32 @!p0 $0x0  }
0xb: {  	s9 =	rddreg [dreg:$0x0];
	s31 =	smul.u32 $0xCCCD, s7  }
0xc: {  	s4 =	rddreg [dreg:$0x1];
	s6 =	simm.s32 $0x1  }
0xd: {  	s11 =	simm.s32 $0x3;
	s13 =	simm.s32 $0x0;
	s8 =	sshrl.u32 s31, $0x16  }
0xe: {  	s12 =	simm.s32 $0x0;
	s5 =	sadd.s32 $0x200, s9;
	s10 =	smul.u32 $0x50, s8  }
.Ltmp0:
0xf: {  	s9 =	sadd.s32 $0x4E400, s9;
	s2 =	rddreg [dreg:$0x2];
	(pc) =	sbr.rel .LBB2_1-.Ltmp0, $4  }
0x10: {  	_ =	strace $0x8000004A;
	p0 =	sne.s32 s7, s10;
	s10 =	simm.s32 $0x1  }
0x11: {  	[sflag:s6] =	ssyncpa.u1 $0x0;
	s7 =	simm.s32 $0x2;
	s10 =	simm.s32 @!p0 $0x0  }
0x12: {  	[sflag:s7] =	ssyncpa.u1 $0x0;
	p0 =	por $0x0, $0x0;
	s8 =	sadd.s32 s8, s10  }
0x13: {  	vm0 =	vmmov $0xff;
	vm1 =	vcmask $0x3F20;
	[sflag:s11] =	ssyncpa.u1 $0x0;
	s11 =	smov.u32 s1;
	s10 =	sadd.s32 $0x1, s8  }
.LBB2_6:
0x14: {  	[hbm:s17] =	stream.linear.scatter [tilespmem:s14], [sflag:$0x3], $0x400, $0x38;
	[tilespmem:$0x50A0] =	vst v63  }
.LBB2_7:
0x15: {  	s13 =	sadd.s32 $0x50, s11  }
0x16: {  	s15 =	smov.u32 s1;
	p2 =	slt.s32 s13, s3  }
0x17: {  	s15 =	smov.u32 @p2 s13;
	p2 =	sne.s32 s12, s10  }
.Ltmp1:
0x18: {  	p1 =	slt.u32 s12, $0x2;
	(pc) =	sbr.rel @!p2 .LBB2_8-.Ltmp1, $4  }
0x19: {  	s14 =	simm.s32 @!p1 $0x3  }
0x1a: {  	s16 =	sadd.s32 $0x1, s12;
	_ =	swait.ge @!p1 [sflag:s14], $0x2800  }
0x1b: {  	p0 =	por !p0, !p0;
	s13 =	smov.u32 s11;
	[sflag:s14] =	ssyncset.done @!p1 $0x0  }
0x1c: {  	s12 =	smov.u32 s16;
	s11 =	smov.u32 s15;
	[sflag:s14] =	ssyncadd.s32 @!p1 $0xFFFFD800  }
.LBB2_1:
0x1d: {  	p1 =	sge.u32 s12, s8  }
0x1e: {  	s14 =	sxor.u32 @!p1 $0xFFFFFFFF, s12  }
0x1f: {  	s14 =	sand.u32 @!p1 $0x1, s14  }
0x20: {  	s14 =	smul.u32 @!p1 $0x140, s14  }
0x21: {  	s31 =	sadd.s32 $0xFFFFFFFF, s12;
	s15 =	sshrl.u32 @!p1 s11, $0x3  }
0x22: {  	s16 =	sand.u32 @!p1 $0x7, s11;
	s15 =	sadd.s32 @!p1 s4, s15;
	s14 =	sshrl.u32 @!p1 s14, $0x2  }
0x23: {  	[tilespmem:s14], [sflag:$0x2] =	stream.linear.gather @!p1 [hbm4b:s15+s16], $0x50, $0x38;
	[tilespmem:$0x50A0] =	vst v63  }
0x24: {  	p1 =	sge.u32 s31, s8  }
.Ltmp2:
0x25: {  	_ = 	snop;
	(pc) =	sbr.rel @p1 .LBB2_7-.Ltmp2, $1  }
0x26: {  	_ =	sdelay $0x3  }
0x27: {  	s14 =	simm.s32 $0x1  }
0x28: {  	s14 =	simm.s32 @!p0 $0x0  }
0x29: {  	s15 =	smul.u32 $0x140, s14  }
0x2a: {  	_ =	swait.ge [sflag:s7], $0x50  }
0x2b: {  	[sflag:s7] =	ssyncset.done $0x0;
	s16 =	sshrl.u32 s15, $0x2  }
0x2c: {  	[sflag:s7] =	ssyncadd.s32 $0xFFFFFFB0;
	s15 =	sadd.s32 $0x0, s16  }
0x2d: {  	v0 =	vld.msk [tilespmem:s15+$0x0 ss:$0x1], $0xffff;
	_ =	sdelay $0x4  }
0x2e: {  	vm2 =	vgt.s32 v0, $0x0  }
0x2f: {  	v0 =	vnsel vm2, $0x0, v0  }
0x30: {  	v0 =	vmin.u32 v0, $0x4E1F  }
0x31: {  	v0 =	vshll.u32 v0, $0x4  }
0x32: {  	s14 =	smul.u32 $0xA000, s14;
	_ =	sdelay $0x1  }
0x33: {  	s14 =	sshrl.u32 s14, $0x2  }
0x34: {  	s14 =	sor.u32 $0xA0, s14  }
0x35: {  	[tilespmem:s14], [sflag:$0x1] =	stream.indirect_vreg.gather [hbm:s5], $0x80, v0, vm0, $0x38;
	[tilespmem:$0x50A0] =	vst v63  }
0x36: {  	s17 =	sadd.s32 $0x10, s16;
	s15 =	sadd.s32 $0x400, s14  }
0x37: {  	[tilespmem:s15], [sflag:$0x1] =	stream.indirect_vreg.gather [hbm:s5], $0x80, v0, vm1, $0x38;
	[tilespmem:$0x50A0] =	vst v63  }
0x38: {  	s18 =	simm.s32 $0x80;
	v0 =	vld.msk [tilespmem:s17+$0x0 ss:$0x1], $0xffff;
	s17 =	smov.u32 s14  }
.LBB2_3:
0x39: {  	p1 =	sne.s32 s18, $0x100;
	_ =	sdelay $0x4  }
0x3a: {  	vm2 =	vgt.s32 v0, $0x0  }
0x3b: {  	v0 =	vnsel vm2, $0x0, v0  }
0x3c: {  	v0 =	vmin.u32 v0, $0x4E1F  }
0x3d: {  	v0 =	vshll.u32 v0, $0x4;
	_ =	sdelay $0x3  }
.Ltmp3:
0x3e: {  	s19 =	sshra.s32 s18, $0x2;
	s17 =	sadd.s32 $0x800, s17;
	(pc) =	sbr.rel @p1 .LBB2_3-.Ltmp3, $4  }
0x3f: {  	[tilespmem:s17], [sflag:$0x1] =	stream.indirect_vreg.gather [hbm:s5], $0x80, v0, vm0, $0x38;
	[tilespmem:$0x50A0] =	vst v63  }
0x40: {  	s19 =	sadd.s32 s19, s16;
	s20 =	sadd.s32 $0x400, s17  }
0x41: {  	[tilespmem:s20], [sflag:$0x1] =	stream.indirect_vreg.gather [hbm:s5], $0x80, v0, vm1, $0x38;
	[tilespmem:$0x50A0] =	vst v63  }
0x42: {  	s18 =	sadd.s32 $0x40, s18;
	v0 =	vld.msk [tilespmem:s19+$0x0 ss:$0x1], $0xffff  }
0x43: {  	_ =	sdelay $0x3  }
0x44: {  	vm2 =	vgt.s32 v0, $0x0  }
0x45: {  	v0 =	vnsel vm2, $0x0, v0  }
0x46: {  	v0 =	vmin.u32 v0, $0x4E1F  }
0x47: {  	v0 =	vshll.u32 v0, $0x4;
	_ =	sdelay $0x3  }
0x48: {  	s16 =	sadd.s32 $0x800, s17  }
0x49: {  	[tilespmem:s16], [sflag:$0x1] =	stream.indirect_vreg.gather [hbm:s5], $0x80, v0, vm0, $0x38;
	[tilespmem:$0x50A0] =	vst v63  }
0x4a: {  	s16 =	sadd.s32 $0x400, s16  }
0x4b: {  	[tilespmem:s16], [sflag:$0x1] =	stream.indirect_vreg.gather [hbm:s5], $0x80, v0, vm1, $0x38;
	[tilespmem:$0x50A0] =	vst v63  }
0x4c: {  	s13 =	sshll.u32 s13, $0x4;
	_ =	swait.ge [sflag:s6], $0x2800  }
0x4d: {  	s13 =	sadd.s32 s13, s9;
	[sflag:s6] =	ssyncset.done $0x0  }
0x4e: {  	s17 =	sadd.s32 $0x0, s13;
	s16 =	simm.s32 $0x80;
	[sflag:s6] =	ssyncadd.s32 $0xFFFFD800  }
.LBB2_5:
0x4f: {  	[hbm:s17] =	stream.linear.scatter [tilespmem:s14], [sflag:$0x3], $0x400, $0x38;
	[tilespmem:$0x50A0] =	vst v63  }
0x50: {  	s17 =	smov.u32 s16;
	s14 =	smov.u32 s15;
	p1 =	sne.s32 s16, $0x480  }
.Ltmp4:
0x51: {  	s16 =	sadd.s32 $0x80, s16;
	(pc) =	sbr.rel @p1 .LBB2_5-.Ltmp4, $2  }
0x52: {  	_ =	sdelay $0x2  }
0x53: {  	s15 =	sadd.s32 $0x400, s15;
	s17 =	sadd.s32 s17, s13  }
.Ltmp5:
0x54: {  	_ = 	snop;
	(pc) =	sbr.rel .LBB2_6-.Ltmp5, $1  }
0x55: {  	_ =	sdelay $0x3  }
.LBB2_8:
0x56: {  	_ =	sfence.sel $0x180000  }
0x57: {  	s1 =	simm.s32 $0x2;
	[bflag:$0x0] =	sbarrier.arrive $0xFFFF  }
0x58: {  	s30 =	simm.s32 $0x3;
	[sflag:s1] =	ssyncpa.u1 $0x1  }
0x59: {  	s31 =	simm.s32 $0x1;
	[sflag:s30] =	ssyncpa.u1 $0x1  }
0x5a: {  	[sflag:s31] =	ssyncpa.u1 $0x1  }
0x5b: {  	p0 =	sne.s32 s0, $0x0;
	_ =	strace $0x9000004A  }
0x5c: {  	s0 =	sadd.s32 @!p0 $0x100000, s2;
	[bflag:$0x2] =	sbarrier.arrive $0xFFFF  }
0x5d: {  	[sflag:s0] =	ssyncadd.tile.s32 @!p0 $0x1;
	_ =	shalt  }
.Lfunc_end2:
_tile_overlayer_lowered:
.L_overlay_start_2:
0x5e: {  	(tag) =	ssettag $0x2  }
0x5f: {  	s0 =	rddreg [dreg:$0x0];
	s2 =	stileid.u32  }
0x60: {  	s1 =	rddreg [dreg:$0x1];
	p0 =	sne.s32 s2, $0x0  }
0x61: {  	s3 =	rddreg [dreg:$0x2];
	[bflag:$0x3] =	sbarrier.arrive $0xFFFF;
	s2 =	simm.s32 @!p0 $0x1C01  }
0x62: {  	[timem:s3], [sflag:s2] =	dma.local @!p0 [hbm:s0], s1  }
0x63: {  	s0 =	simm.s32 @!p0 $0x1  }
0x64: {  	_ =	swait.ge @!p0 [sflag:s0], s1  }
0x65: {  	s1 =	ssub.s32 @!p0 $0x0, s1;
	[sflag:s0] =	ssyncset.done @!p0 $0x0  }
0x66: {  	[sflag:s0] =	ssyncadd.s32 @!p0 s1  }
0x67: {  	[bflag:$0x3] =	sbarrier.arrive $0xFFFF  }
0x68: {  	_ =	shalt  }

// kernel: gather_offload_async_start.2
scs
__scs_entry_jumppad:
0x0: {  	(pc) =	sbr.rel $0x88, $3  }
0x1: {  	(tag) =	ssettag $0x0;
	lr =	simm.s32 $0x1  }
0x2: {  	[smem:$0x3F9D] =	sst lr;
	_ =	strace $0xD0000000  }
0x3: {  	_ = 	snop  }
0x4: {  	_ = 	snop  }
0x5: {  	_ = 	snop  }
0x6: {  	_ = 	snop  }
0x7: {  	_ = 	snop  }
__scs_overlays_trampoline_lowered:
0x8: {  	[smem:$0x3FAC] =	sst s0  }
0x9: {  	[smem:$0x3FAD] =	sst s1  }
0xa: {  	[smem:$0x3FAE] =	sst s2  }
0xb: {  	[smem:$0x3FAF] =	sst s3  }
0xc: {  	[smem:$0x3FB0] =	sst s4  }
0xd: {  	[smem:$0x3FB1] =	sst s5  }
0xe: {  	[smem:$0x3FB2] =	sst s6  }
0xf: {  	[smem:$0x3FB3] =	sst s7  }
0x10: {  	[smem:$0x3FB4] =	sst s8  }
0x11: {  	[smem:$0x3FB5] =	sst s9;
	s0 =	simm.s32 @!p0 $0x0  }
0x12: {  	s1 =	sld [smem:$0x3F9B];
	s0 =	simm.s32 @p0 $0x1  }
0x13: {  	[smem:$0x3FB6] =	sst s0;
	s0 =	simm.s32 @!p1 $0x0  }
0x14: {  	s2 =	sld [smem:$0x3F9A];
	s0 =	simm.s32 @p1 $0x1  }
0x15: {  	[smem:$0x3FB7] =	sst s0;
	s0 =	simm.s32 @!p2 $0x0  }
0x16: {  	s3 =	sld [smem:$0x3FDB];
	s0 =	simm.s32 @p2 $0x1  }
0x17: {  	s4 =	simm.s32 $0x1BF5;
	[smem:$0x3FB9] =	sst s0  }
0x18: {  	s0 =	sld [smem:$0x3F9C];
	_ =	swait.ge [sflag:s4], $0x0  }
0x19: {  	s7 =	sld [smem:$0x3F9D]  }
0x1a: {  	s8 =	sadd.s32 $0xFFFFE003, lr  }
0x1b: {  	s9 =	sadd.s32 $0xFFFFFEF7, lr;
	s5 =	simm.s32 $0xFFFFFFFF;
	p2 =	slt.u32 s8, $0xFFFFF086  }
0x1c: {  	p1 =	slt.u32 s9, $0xF7A;
	s5 =	simm.s32 @!p2 $0x0  }
0x1d: {  	s5 =	simm.s32 @p1 $0x1;
	p0 =	seq.s32 s7, s2  }
0x1e: {  	s7 =	smul.u32 @!p0 $0xF7A, s2;
	p2 =	seq.s32 @!p0 s5, $0x0  }
0x1f: {  	s9 =	smul.u32 $0xF7A, s1;
	s8 =	simm.s32 @!p0 $0x1BF5;
	p2 =	por !p2, p0  }
0x20: {  	[sflag:s8] =	ssyncset.s32 @!p0 $0xFFFFF086;
	s6 =	sadd.s32 @!p0 s3, s7;
	s7 =	simm.s32 @!p0 $0x108  }
0x21: {  	s3 =	sadd.s32 s3, s9;
	s6 =	sadd.s32 @!p0 $0x88, s6;
	s7 =	simm.s32 @p2 $0x1082  }
0x22: {  	[simem:s7], [sflag:s8] =	dma.local @!p0 [hbm:s6], $0xF7A  }
0x23: {  	s9 =	sor.u32 $0xD0000000, s2;
	s6 =	simm.s32 $0x108;
	_ =	swait.ge @!p0 [sflag:s8], $0x0  }
0x24: {  	s3 =	sadd.s32 $0x88, s3;
	s6 =	simm.s32 @!p1 $0x1082;
	[sflag:s4] =	ssyncset.s32 $0xFFFFF086  }
0x25: {  	[simem:s6], [sflag:s4] =	dma.local [hbm:s3], $0xF7A  }
0x26: {  	[smem:$0x3F9D] =	sst s1;
	(tag) =	ssettag s2;
	_ =	strace s9  }
0x27: {  	s1 =	sld [smem:$0x3FAD]  }
0x28: {  	s2 =	sld [smem:$0x3FAE]  }
0x29: {  	s4 =	sld [smem:$0x3FB0]  }
0x2a: {  	p0 =	seq.s32 s5, $0x0;
	s5 =	sld [smem:$0x3FB1]  }
0x2b: {  	s6 =	sld [smem:$0x3FB2]  }
0x2c: {  	s7 =	sld [smem:$0x3FB3]  }
0x2d: {  	s3 =	simm.s32 $0x108;
	s8 =	sld [smem:$0x3FB4]  }
0x2e: {  	s3 =	simm.s32 @!p0 $0x1082;
	s9 =	sld [smem:$0x3FB5]  }
0x2f: {  	lr =	sadd.s32 s0, s3;
	s0 =	sld [smem:$0x3FAC]  }
0x30: {  	s3 =	sld [smem:$0x3FAF]  }
0x31: {  	[smem:$0x3FB8] =	sst s10  }
0x32: {  	s10 =	sld [smem:$0x3FB6];
	_ =	sdelay $0x3  }
0x33: {  	p0 =	seq.s32 s10, $0x1;
	s10 =	sld [smem:$0x3FB8];
	_ =	sdelay $0x3  }
0x34: {  	[smem:$0x3FB8] =	sst s10  }
0x35: {  	s10 =	sld [smem:$0x3FB7];
	_ =	sdelay $0x3  }
0x36: {  	p1 =	seq.s32 s10, $0x1;
	s10 =	sld [smem:$0x3FB8];
	_ =	sdelay $0x3  }
0x37: {  	[smem:$0x3FB8] =	sst s10  }
0x38: {  	s10 =	sld [smem:$0x3FB9]  }
0x39: {  	_ = 	snop;
	(pc) =	sbr.ind lr, $3  }
0x3a: {  	_ = 	snop  }
0x3b: {  	_ = 	snop  }
0x3c: {  	p2 =	seq.s32 s10, $0x1;
	s10 =	sld [smem:$0x3FB8]  }
0x3d: {  	_ =	shalt  }
0x3e: {  	_ =	shalt  }
0x3f: {  	_ =	shalt  }
0x40: {  	_ =	shalt  }
0x41: {  	_ =	shalt  }
0x42: {  	_ =	shalt  }
0x43: {  	_ =	shalt  }
0x44: {  	_ =	shalt  }
0x45: {  	_ =	shalt  }
0x46: {  	_ =	shalt  }
0x47: {  	_ =	shalt  }
0x48: {  	_ =	shalt  }
0x49: {  	_ =	shalt  }
0x4a: {  	_ =	shalt  }
0x4b: {  	_ =	shalt  }
0x4c: {  	_ =	shalt  }
0x4d: {  	_ =	shalt  }
0x4e: {  	_ =	shalt  }
0x4f: {  	_ =	shalt  }
0x50: {  	_ =	shalt  }
0x51: {  	_ =	shalt  }
0x52: {  	_ =	shalt  }
0x53: {  	_ =	shalt  }
0x54: {  	_ =	shalt  }
0x55: {  	_ =	shalt  }
0x56: {  	_ =	shalt  }
0x57: {  	_ =	shalt  }
0x58: {  	_ =	shalt  }
0x59: {  	_ =	shalt  }
0x5a: {  	_ =	shalt  }
0x5b: {  	_ =	shalt  }
0x5c: {  	_ =	shalt  }
0x5d: {  	_ =	shalt  }
0x5e: {  	_ =	shalt  }
0x5f: {  	_ =	shalt  }
0x60: {  	_ =	shalt  }
0x61: {  	_ =	shalt  }
0x62: {  	_ =	shalt  }
0x63: {  	_ =	shalt  }
0x64: {  	_ =	shalt  }
0x65: {  	_ =	shalt  }
0x66: {  	_ =	shalt  }
0x67: {  	_ =	shalt  }
0x68: {  	_ =	shalt  }
0x69: {  	_ =	shalt  }
0x6a: {  	_ =	shalt  }
0x6b: {  	_ =	shalt  }
0x6c: {  	_ =	shalt  }
0x6d: {  	_ =	shalt  }
0x6e: {  	_ =	shalt  }
0x6f: {  	_ =	shalt  }
0x70: {  	_ =	shalt  }
0x71: {  	_ =	shalt  }
0x72: {  	_ =	shalt  }
0x73: {  	_ =	shalt  }
0x74: {  	_ =	shalt  }
0x75: {  	_ =	shalt  }
0x76: {  	_ =	shalt  }
0x77: {  	_ =	shalt  }
0x78: {  	_ =	shalt  }
0x79: {  	_ =	shalt  }
0x7a: {  	_ =	shalt  }
0x7b: {  	_ =	shalt  }
0x7c: {  	_ =	shalt  }
0x7d: {  	_ =	shalt  }
0x7e: {  	_ =	shalt  }
0x7f: {  	_ =	shalt  }
0x80: {  	_ =	shalt  }
0x81: {  	_ =	shalt  }
0x82: {  	_ =	shalt  }
0x83: {  	_ =	shalt  }
0x84: {  	_ =	shalt  }
0x85: {  	_ =	shalt  }
0x86: {  	_ =	shalt  }
0x87: {  	_ =	shalt  }
.Lfunc_end0:
.L_simem_size_0:
called_computation.2_lowered:
.L_overlay_start_0:
0x88: {  	s0 =	sld [smem:$0x3FD9]  }
0x89: {  	s1 =	sld [smem:$0x3FFE];
	_ =	sdelay $0x3  }
0x8a: {  	s0 =	sadd.s32 s1, s0  }
0x8b: {  	[smem:$0x3FC4] =	sst s0  }
0x8c: {  	_ = 	snop  }
0x8d: {  	s0 =	sld [smem:$0x3FD0];
	(tm) =	ssettm $0x1  }
0x8e: {  	s16 =	sld [smem:$0x3FFB];
	_ =	sdelay $0x3  }
0x8f: {  	_ =	strace s16  }
0x90: {  	s1 =	sld [smem:$0x3FFC];
	_ =	sdelay $0x3  }
0x91: {  	_ =	strace s1  }
0x92: {  	s1 =	sld [smem:$0x3FFD];
	_ =	sdelay $0x3  }
0x93: {  	_ =	strace s1  }
0x94: {  	_ =	strace $0x8FFFFFFF  }
0x95: {  	s17 =	sld [smem:$0x3FDB];
	_ =	sdelay $0x1  }
0x96: {  	s2 =	simm.s32 $_scs_section_size  }
0x97: {  	s3 =	simm.s32 $_size__tile_overlayer_lowered;
	s4 =	simm.s32 $_tile_overlayer_lowered  }
0x98: {  	s20 =	simm.s32 $0x1BFF;
	s19 =	sshll.u32 s4, $0x1;
	s1 =	sadd.s32 s2, s17  }
0x99: {  	s5 =	simm.s32 $0x0;
	s18 =	sshll.u32 s3, $0x1;
	s3 =	sadd.s32 s19, s1  }
0x9a: {  	[timem:s5], [sflag:s20] =	dma.local [hbm:s3], s18  }
0x9b: {  	_ =	swait.ge [sflag:s20], s18  }
0x9c: {  	s2 =	ssub.s32 $0x0, s18;
	[sflag:s20] =	ssyncset.done $0x0  }
0x9d: {  	[sflag:s20] =	ssyncadd.s32 s2;
	_ =	sdelay $0x1  }
0x9e: {  	s21 =	simm.s32 $0x1B8B  }
0x9f: {  	_ =	swait.ge [sflag:s21], $0x1  }
0xa0: {  	[sflag:s21] =	ssyncset.done $0x0  }
0xa1: {  	s23 =	simm.s32 $0x1B8E;
	s22 =	sld [smem:$0x3FFE];
	[sflag:s21] =	ssyncadd.s32 $0xFFFFFFFF  }
0xa2: {  	s24 =	simm.s32 $execute0_lowered;
	[smem:$0x3FD2] =	sst s23  }
0xa3: {  	s3 =	sshll.u32 s24, $0x1;
	_ =	strace $0x8000004C;
	[dreg:$0x1] =	wrdreg $0xFFFFFFFF  }
0xa4: {  	s25 =	simm.s32 $_size_execute0_lowered;
	s1 =	sadd.s32 s1, s3;
	[dreg:$0x0] =	wrdreg $0x0  }
0xa5: {  	s3 =	sshll.u32 s25, $0x1;
	[dreg:$0x2] =	wrdreg s1  }
0xa6: {  	[dreg:$0x3] =	wrdreg s3  }
0xa7: {  	[dreg:$0x4] =	wrdreg $0xC0  }
0xa8: {  	_ =	task [dreg:s5], $0x5FFFF  }
0xa9: {  	[dreg:$0x1] =	wrdreg $0xFFFFFFFF  }
0xaa: {  	[dreg:$0x0] =	wrdreg $0x60  }
0xab: {  	[dreg:$0x2] =	wrdreg s22  }
0xac: {  	[dreg:$0x3] =	wrdreg s0  }
0xad: {  	[dreg:$0x4] =	wrdreg $0xB  }
0xae: {  	_ =	task.clear_ibuf [dreg:s5], $0x5FFFF;
	_ =	strace $0x9000004C  }
0xaf: {  	s26 =	simm.s32 $0xB;
	_ =	strace $0x8000004E  }
0xb0: {  	_ =	swait.ge [sflag:s26], $0x1  }
0xb1: {  	[sflag:s26] =	ssyncadd.s32 $0xFFFFFFFF  }
0xb2: {  	_ =	strace $0x9000004E  }
0xb3: {  	_ =	sfence  }
0xb4: {  	s28 =	sld [smem:$0x0];
	_ =	sdelay $0x1  }
0xb5: {  	s29 =	srdreg.scid  }
0xb6: {  	s30 =	sshll.u32 s29, $0xD;
	s31 =	sshrl.u32 s29, $0x2  }
0xb7: {  	s2 =	sand.u32 $0x4000, s30;
	s1 =	sand.u32 $0x1, s29;
	s0 =	sadd.s32 s31, s28  }
0xb8: {  	s1 =	sor.u32 s2, s1;
	s0 =	sshll.u32 s0, $0x11  }
0xb9: {  	s0 =	sor.u32 s0, s1  }
0xba: {  	s0 =	sadd.s32 $0x8F2B, s0  }
0xbb: {  	[sflag:s0] =	ssyncadd.remote.s32 $0x1  }
0xbc: {  	_ =	sfence.sel $0xFFFF  }
0xbd: {  	[dreg:$0x0] =	wrdreg $0xFFFFFFFF;
	(pc) =	sbr.abs _section_cstart, $3  }
0xbe: {  	[dreg:$0x1] =	wrdreg $0xFFFFFFFF  }
0xbf: {  	_ =	task.clear_ibuf [dreg:s5], $0x2FFFF;
	_ =	strace $0x9FFFFFFF  }
0xc0: {  	(tm) =	ssettm $0x7FFFFFFF  }
0xc1: {  	_ =	shalt  }
tec
execute0_lowered:
.L_overlay_start_1:
0x0: {  	(tag) =	ssettag $0x1  }
0x1: {  	s0 =	stileid.u32  }
0x2: {  	s1 =	smin.u32 s0, $0x9  }
0x3: {  	s1 =	sadd.s32 s0, s1  }
0x4: {  	s2 =	simm.s32 $0xA0;
	p0 =	slt.u32 s0, $0x9;
	s1 =	smul.u32 $0x50, s1  }
0x5: {  	s2 =	simm.s32 @!p0 $0x50  }
0x6: {  	s2 =	sadd.s32 s2, s1  }
0x7: {  	s3 =	smin.u32 s2, $0x7D0  }
0x8: {  	s7 =	ssub.s32 s3, s1  }
0x9: {  	p0 =	sgt.s32 s7, $0x0  }
0xa: {  	s7 =	simm.s32 @!p0 $0x0  }
0xb: {  	s9 =	rddreg [dreg:$0x0];
	s31 =	smul.u32 $0xCCCD, s7  }
0xc: {  	s4 =	rddreg [dreg:$0x1];
	s6 =	simm.s32 $0x1  }
0xd: {  	s11 =	simm.s32 $0x3;
	s13 =	simm.s32 $0x0;
	s8 =	sshrl.u32 s31, $0x16  }
0xe: {  	s12 =	simm.s32 $0x0;
	s5 =	sadd.s32 $0x56200, s9;
	s10 =	smul.u32 $0x50, s8  }
.Ltmp0:
0xf: {  	s9 =	sadd.s32 $0xA4400, s9;
	s2 =	rddreg [dreg:$0x2];
	(pc) =	sbr.rel .LBB2_1-.Ltmp0, $4  }
0x10: {  	_ =	strace $0x8000004D;
	p0 =	sne.s32 s7, s10;
	s10 =	simm.s32 $0x1  }
0x11: {  	[sflag:s6] =	ssyncpa.u1 $0x0;
	s7 =	simm.s32 $0x2;
	s10 =	simm.s32 @!p0 $0x0  }
0x12: {  	[sflag:s7] =	ssyncpa.u1 $0x0;
	p0 =	por $0x0, $0x0;
	s8 =	sadd.s32 s8, s10  }
0x13: {  	vm0 =	vmmov $0xff;
	vm1 =	vcmask $0x3F20;
	[sflag:s11] =	ssyncpa.u1 $0x0;
	s11 =	smov.u32 s1;
	s10 =	sadd.s32 $0x1, s8  }
.LBB2_6:
0x14: {  	[hbm:s17] =	stream.linear.scatter [tilespmem:s14], [sflag:$0x3], $0x400, $0x38;
	[tilespmem:$0x50A0] =	vst v63  }
.LBB2_7:
0x15: {  	s13 =	sadd.s32 $0x50, s11  }
0x16: {  	s15 =	smov.u32 s1;
	p2 =	slt.s32 s13, s3  }
0x17: {  	s15 =	smov.u32 @p2 s13;
	p2 =	sne.s32 s12, s10  }
.Ltmp1:
0x18: {  	p1 =	slt.u32 s12, $0x2;
	(pc) =	sbr.rel @!p2 .LBB2_8-.Ltmp1, $4  }
0x19: {  	s14 =	simm.s32 @!p1 $0x3  }
0x1a: {  	s16 =	sadd.s32 $0x1, s12;
	_ =	swait.ge @!p1 [sflag:s14], $0x2800  }
0x1b: {  	p0 =	por !p0, !p0;
	s13 =	smov.u32 s11;
	[sflag:s14] =	ssyncset.done @!p1 $0x0  }
0x1c: {  	s12 =	smov.u32 s16;
	s11 =	smov.u32 s15;
	[sflag:s14] =	ssyncadd.s32 @!p1 $0xFFFFD800  }
.LBB2_1:
0x1d: {  	p1 =	sge.u32 s12, s8  }
0x1e: {  	s14 =	sxor.u32 @!p1 $0xFFFFFFFF, s12  }
0x1f: {  	s14 =	sand.u32 @!p1 $0x1, s14  }
0x20: {  	s14 =	smul.u32 @!p1 $0x140, s14  }
0x21: {  	s31 =	sadd.s32 $0xFFFFFFFF, s12;
	s15 =	sshrl.u32 @!p1 s11, $0x3  }
0x22: {  	s16 =	sand.u32 @!p1 $0x7, s11;
	s15 =	sadd.s32 @!p1 s4, s15;
	s14 =	sshrl.u32 @!p1 s14, $0x2  }
0x23: {  	[tilespmem:s14], [sflag:$0x2] =	stream.linear.gather @!p1 [hbm4b:s15+s16], $0x50, $0x38;
	[tilespmem:$0x50A0] =	vst v63  }
0x24: {  	p1 =	sge.u32 s31, s8  }
.Ltmp2:
0x25: {  	_ = 	snop;
	(pc) =	sbr.rel @p1 .LBB2_7-.Ltmp2, $1  }
0x26: {  	_ =	sdelay $0x3  }
0x27: {  	s14 =	simm.s32 $0x1  }
0x28: {  	s14 =	simm.s32 @!p0 $0x0  }
0x29: {  	s15 =	smul.u32 $0x140, s14  }
0x2a: {  	_ =	swait.ge [sflag:s7], $0x50  }
0x2b: {  	[sflag:s7] =	ssyncset.done $0x0;
	s16 =	sshrl.u32 s15, $0x2  }
0x2c: {  	[sflag:s7] =	ssyncadd.s32 $0xFFFFFFB0;
	s15 =	sadd.s32 $0x0, s16  }
0x2d: {  	v0 =	vld.msk [tilespmem:s15+$0x0 ss:$0x1], $0xffff;
	_ =	sdelay $0x4  }
0x2e: {  	vm2 =	vgt.s32 v0, $0x0  }
0x2f: {  	v0 =	vnsel vm2, $0x0, v0  }
0x30: {  	v0 =	vmin.u32 v0, $0x4E1F  }
0x31: {  	v0 =	vshll.u32 v0, $0x4  }
0x32: {  	s14 =	smul.u32 $0xA000, s14;
	_ =	sdelay $0x1  }
0x33: {  	s14 =	sshrl.u32 s14, $0x2  }
0x34: {  	s14 =	sor.u32 $0xA0, s14  }
0x35: {  	[tilespmem:s14], [sflag:$0x1] =	stream.indirect_vreg.gather [hbm:s5], $0x80, v0, vm0, $0x38;
	[tilespmem:$0x50A0] =	vst v63  }
0x36: {  	s17 =	sadd.s32 $0x10, s16;
	s15 =	sadd.s32 $0x400, s14  }
0x37: {  	[tilespmem:s15], [sflag:$0x1] =	stream.indirect_vreg.gather [hbm:s5], $0x80, v0, vm1, $0x38;
	[tilespmem:$0x50A0] =	vst v63  }
0x38: {  	s18 =	simm.s32 $0x80;
	v0 =	vld.msk [tilespmem:s17+$0x0 ss:$0x1], $0xffff;
	s17 =	smov.u32 s14  }
.LBB2_3:
0x39: {  	p1 =	sne.s32 s18, $0x100;
	_ =	sdelay $0x4  }
0x3a: {  	vm2 =	vgt.s32 v0, $0x0  }
0x3b: {  	v0 =	vnsel vm2, $0x0, v0  }
0x3c: {  	v0 =	vmin.u32 v0, $0x4E1F  }
0x3d: {  	v0 =	vshll.u32 v0, $0x4;
	_ =	sdelay $0x3  }
.Ltmp3:
0x3e: {  	s19 =	sshra.s32 s18, $0x2;
	s17 =	sadd.s32 $0x800, s17;
	(pc) =	sbr.rel @p1 .LBB2_3-.Ltmp3, $4  }
0x3f: {  	[tilespmem:s17], [sflag:$0x1] =	stream.indirect_vreg.gather [hbm:s5], $0x80, v0, vm0, $0x38;
	[tilespmem:$0x50A0] =	vst v63  }
0x40: {  	s19 =	sadd.s32 s19, s16;
	s20 =	sadd.s32 $0x400, s17  }
0x41: {  	[tilespmem:s20], [sflag:$0x1] =	stream.indirect_vreg.gather [hbm:s5], $0x80, v0, vm1, $0x38;
	[tilespmem:$0x50A0] =	vst v63  }
0x42: {  	s18 =	sadd.s32 $0x40, s18;
	v0 =	vld.msk [tilespmem:s19+$0x0 ss:$0x1], $0xffff  }
0x43: {  	_ =	sdelay $0x3  }
0x44: {  	vm2 =	vgt.s32 v0, $0x0  }
0x45: {  	v0 =	vnsel vm2, $0x0, v0  }
0x46: {  	v0 =	vmin.u32 v0, $0x4E1F  }
0x47: {  	v0 =	vshll.u32 v0, $0x4;
	_ =	sdelay $0x3  }
0x48: {  	s16 =	sadd.s32 $0x800, s17  }
0x49: {  	[tilespmem:s16], [sflag:$0x1] =	stream.indirect_vreg.gather [hbm:s5], $0x80, v0, vm0, $0x38;
	[tilespmem:$0x50A0] =	vst v63  }
0x4a: {  	s16 =	sadd.s32 $0x400, s16  }
0x4b: {  	[tilespmem:s16], [sflag:$0x1] =	stream.indirect_vreg.gather [hbm:s5], $0x80, v0, vm1, $0x38;
	[tilespmem:$0x50A0] =	vst v63  }
0x4c: {  	s13 =	sshll.u32 s13, $0x4;
	_ =	swait.ge [sflag:s6], $0x2800  }
0x4d: {  	s13 =	sadd.s32 s13, s9;
	[sflag:s6] =	ssyncset.done $0x0  }
0x4e: {  	s17 =	sadd.s32 $0x0, s13;
	s16 =	simm.s32 $0x80;
	[sflag:s6] =	ssyncadd.s32 $0xFFFFD800  }
.LBB2_5:
0x4f: {  	[hbm:s17] =	stream.linear.scatter [tilespmem:s14], [sflag:$0x3], $0x400, $0x38;
	[tilespmem:$0x50A0] =	vst v63  }
0x50: {  	s17 =	smov.u32 s16;
	s14 =	smov.u32 s15;
	p1 =	sne.s32 s16, $0x480  }
.Ltmp4:
0x51: {  	s16 =	sadd.s32 $0x80, s16;
	(pc) =	sbr.rel @p1 .LBB2_5-.Ltmp4, $2  }
0x52: {  	_ =	sdelay $0x2  }
0x53: {  	s15 =	sadd.s32 $0x400, s15;
	s17 =	sadd.s32 s17, s13  }
.Ltmp5:
0x54: {  	_ = 	snop;
	(pc) =	sbr.rel .LBB2_6-.Ltmp5, $1  }
0x55: {  	_ =	sdelay $0x3  }
.LBB2_8:
0x56: {  	_ =	sfence.sel $0x180000  }
0x57: {  	s1 =	simm.s32 $0x2;
	[bflag:$0x0] =	sbarrier.arrive $0xFFFF  }
0x58: {  	s30 =	simm.s32 $0x3;
	[sflag:s1] =	ssyncpa.u1 $0x1  }
0x59: {  	s31 =	simm.s32 $0x1;
	[sflag:s30] =	ssyncpa.u1 $0x1  }
0x5a: {  	[sflag:s31] =	ssyncpa.u1 $0x1  }
0x5b: {  	p0 =	sne.s32 s0, $0x0;
	_ =	strace $0x9000004D  }
0x5c: {  	s0 =	sadd.s32 @!p0 $0x100000, s2;
	[bflag:$0x2] =	sbarrier.arrive $0xFFFF  }
0x5d: {  	[sflag:s0] =	ssyncadd.tile.s32 @!p0 $0x1;
	_ =	shalt  }
.Lfunc_end2:
_tile_overlayer_lowered:
.L_overlay_start_2:
0x5e: {  	(tag) =	ssettag $0x2  }
0x5f: {  	s0 =	rddreg [dreg:$0x0];
	s2 =	stileid.u32  }
0x60: {  	s1 =	rddreg [dreg:$0x1];
	p0 =	sne.s32 s2, $0x0  }
0x61: {  	s3 =	rddreg [dreg:$0x2];
	[bflag:$0x3] =	sbarrier.arrive $0xFFFF;
	s2 =	simm.s32 @!p0 $0x1C01  }
0x62: {  	[timem:s3], [sflag:s2] =	dma.local @!p0 [hbm:s0], s1  }
0x63: {  	s0 =	simm.s32 @!p0 $0x1  }
0x64: {  	_ =	swait.ge @!p0 [sflag:s0], s1  }
0x65: {  	s1 =	ssub.s32 @!p0 $0x0, s1;
	[sflag:s0] =	ssyncset.done @!p0 $0x0  }
0x66: {  	[sflag:s0] =	ssyncadd.s32 @!p0 s1  }
0x67: {  	[bflag:$0x3] =	sbarrier.arrive $0xFFFF  }
0x68: {  	_ =	shalt  }

// kernel: gather_offload_async_start
scs
__scs_entry_jumppad:
0x0: {  	(pc) =	sbr.rel $0x88, $3  }
0x1: {  	(tag) =	ssettag $0x0;
	lr =	simm.s32 $0x1  }
0x2: {  	[smem:$0x3F9D] =	sst lr;
	_ =	strace $0xD0000000  }
0x3: {  	_ = 	snop  }
0x4: {  	_ = 	snop  }
0x5: {  	_ = 	snop  }
0x6: {  	_ = 	snop  }
0x7: {  	_ = 	snop  }
__scs_overlays_trampoline_lowered:
0x8: {  	[smem:$0x3FAC] =	sst s0  }
0x9: {  	[smem:$0x3FAD] =	sst s1  }
0xa: {  	[smem:$0x3FAE] =	sst s2  }
0xb: {  	[smem:$0x3FAF] =	sst s3  }
0xc: {  	[smem:$0x3FB0] =	sst s4  }
0xd: {  	[smem:$0x3FB1] =	sst s5  }
0xe: {  	[smem:$0x3FB2] =	sst s6  }
0xf: {  	[smem:$0x3FB3] =	sst s7  }
0x10: {  	[smem:$0x3FB4] =	sst s8  }
0x11: {  	[smem:$0x3FB5] =	sst s9;
	s0 =	simm.s32 @!p0 $0x0  }
0x12: {  	s1 =	sld [smem:$0x3F9B];
	s0 =	simm.s32 @p0 $0x1  }
0x13: {  	[smem:$0x3FB6] =	sst s0;
	s0 =	simm.s32 @!p1 $0x0  }
0x14: {  	s2 =	sld [smem:$0x3F9A];
	s0 =	simm.s32 @p1 $0x1  }
0x15: {  	[smem:$0x3FB7] =	sst s0;
	s0 =	simm.s32 @!p2 $0x0  }
0x16: {  	s3 =	sld [smem:$0x3FDB];
	s0 =	simm.s32 @p2 $0x1  }
0x17: {  	s4 =	simm.s32 $0x1BF5;
	[smem:$0x3FB9] =	sst s0  }
0x18: {  	s0 =	sld [smem:$0x3F9C];
	_ =	swait.ge [sflag:s4], $0x0  }
0x19: {  	s7 =	sld [smem:$0x3F9D]  }
0x1a: {  	s8 =	sadd.s32 $0xFFFFE003, lr  }
0x1b: {  	s9 =	sadd.s32 $0xFFFFFEF7, lr;
	s5 =	simm.s32 $0xFFFFFFFF;
	p2 =	slt.u32 s8, $0xFFFFF086  }
0x1c: {  	p1 =	slt.u32 s9, $0xF7A;
	s5 =	simm.s32 @!p2 $0x0  }
0x1d: {  	s5 =	simm.s32 @p1 $0x1;
	p0 =	seq.s32 s7, s2  }
0x1e: {  	s7 =	smul.u32 @!p0 $0xF7A, s2;
	p2 =	seq.s32 @!p0 s5, $0x0  }
0x1f: {  	s9 =	smul.u32 $0xF7A, s1;
	s8 =	simm.s32 @!p0 $0x1BF5;
	p2 =	por !p2, p0  }
0x20: {  	[sflag:s8] =	ssyncset.s32 @!p0 $0xFFFFF086;
	s6 =	sadd.s32 @!p0 s3, s7;
	s7 =	simm.s32 @!p0 $0x108  }
0x21: {  	s3 =	sadd.s32 s3, s9;
	s6 =	sadd.s32 @!p0 $0x88, s6;
	s7 =	simm.s32 @p2 $0x1082  }
0x22: {  	[simem:s7], [sflag:s8] =	dma.local @!p0 [hbm:s6], $0xF7A  }
0x23: {  	s9 =	sor.u32 $0xD0000000, s2;
	s6 =	simm.s32 $0x108;
	_ =	swait.ge @!p0 [sflag:s8], $0x0  }
0x24: {  	s3 =	sadd.s32 $0x88, s3;
	s6 =	simm.s32 @!p1 $0x1082;
	[sflag:s4] =	ssyncset.s32 $0xFFFFF086  }
0x25: {  	[simem:s6], [sflag:s4] =	dma.local [hbm:s3], $0xF7A  }
0x26: {  	[smem:$0x3F9D] =	sst s1;
	(tag) =	ssettag s2;
	_ =	strace s9  }
0x27: {  	s1 =	sld [smem:$0x3FAD]  }
0x28: {  	s2 =	sld [smem:$0x3FAE]  }
0x29: {  	s4 =	sld [smem:$0x3FB0]  }
0x2a: {  	p0 =	seq.s32 s5, $0x0;
	s5 =	sld [smem:$0x3FB1]  }
0x2b: {  	s6 =	sld [smem:$0x3FB2]  }
0x2c: {  	s7 =	sld [smem:$0x3FB3]  }
0x2d: {  	s3 =	simm.s32 $0x108;
	s8 =	sld [smem:$0x3FB4]  }
0x2e: {  	s3 =	simm.s32 @!p0 $0x1082;
	s9 =	sld [smem:$0x3FB5]  }
0x2f: {  	lr =	sadd.s32 s0, s3;
	s0 =	sld [smem:$0x3FAC]  }
0x30: {  	s3 =	sld [smem:$0x3FAF]  }
0x31: {  	[smem:$0x3FB8] =	sst s10  }
0x32: {  	s10 =	sld [smem:$0x3FB6];
	_ =	sdelay $0x3  }
0x33: {  	p0 =	seq.s32 s10, $0x1;
	s10 =	sld [smem:$0x3FB8];
	_ =	sdelay $0x3  }
0x34: {  	[smem:$0x3FB8] =	sst s10  }
0x35: {  	s10 =	sld [smem:$0x3FB7];
	_ =	sdelay $0x3  }
0x36: {  	p1 =	seq.s32 s10, $0x1;
	s10 =	sld [smem:$0x3FB8];
	_ =	sdelay $0x3  }
0x37: {  	[smem:$0x3FB8] =	sst s10  }
0x38: {  	s10 =	sld [smem:$0x3FB9]  }
0x39: {  	_ = 	snop;
	(pc) =	sbr.ind lr, $3  }
0x3a: {  	_ = 	snop  }
0x3b: {  	_ = 	snop  }
0x3c: {  	p2 =	seq.s32 s10, $0x1;
	s10 =	sld [smem:$0x3FB8]  }
0x3d: {  	_ =	shalt  }
0x3e: {  	_ =	shalt  }
0x3f: {  	_ =	shalt  }
0x40: {  	_ =	shalt  }
0x41: {  	_ =	shalt  }
0x42: {  	_ =	shalt  }
0x43: {  	_ =	shalt  }
0x44: {  	_ =	shalt  }
0x45: {  	_ =	shalt  }
0x46: {  	_ =	shalt  }
0x47: {  	_ =	shalt  }
0x48: {  	_ =	shalt  }
0x49: {  	_ =	shalt  }
0x4a: {  	_ =	shalt  }
0x4b: {  	_ =	shalt  }
0x4c: {  	_ =	shalt  }
0x4d: {  	_ =	shalt  }
0x4e: {  	_ =	shalt  }
0x4f: {  	_ =	shalt  }
0x50: {  	_ =	shalt  }
0x51: {  	_ =	shalt  }
0x52: {  	_ =	shalt  }
0x53: {  	_ =	shalt  }
0x54: {  	_ =	shalt  }
0x55: {  	_ =	shalt  }
0x56: {  	_ =	shalt  }
0x57: {  	_ =	shalt  }
0x58: {  	_ =	shalt  }
0x59: {  	_ =	shalt  }
0x5a: {  	_ =	shalt  }
0x5b: {  	_ =	shalt  }
0x5c: {  	_ =	shalt  }
0x5d: {  	_ =	shalt  }
0x5e: {  	_ =	shalt  }
0x5f: {  	_ =	shalt  }
0x60: {  	_ =	shalt  }
0x61: {  	_ =	shalt  }
0x62: {  	_ =	shalt  }
0x63: {  	_ =	shalt  }
0x64: {  	_ =	shalt  }
0x65: {  	_ =	shalt  }
0x66: {  	_ =	shalt  }
0x67: {  	_ =	shalt  }
0x68: {  	_ =	shalt  }
0x69: {  	_ =	shalt  }
0x6a: {  	_ =	shalt  }
0x6b: {  	_ =	shalt  }
0x6c: {  	_ =	shalt  }
0x6d: {  	_ =	shalt  }
0x6e: {  	_ =	shalt  }
0x6f: {  	_ =	shalt  }
0x70: {  	_ =	shalt  }
0x71: {  	_ =	shalt  }
0x72: {  	_ =	shalt  }
0x73: {  	_ =	shalt  }
0x74: {  	_ =	shalt  }
0x75: {  	_ =	shalt  }
0x76: {  	_ =	shalt  }
0x77: {  	_ =	shalt  }
0x78: {  	_ =	shalt  }
0x79: {  	_ =	shalt  }
0x7a: {  	_ =	shalt  }
0x7b: {  	_ =	shalt  }
0x7c: {  	_ =	shalt  }
0x7d: {  	_ =	shalt  }
0x7e: {  	_ =	shalt  }
0x7f: {  	_ =	shalt  }
0x80: {  	_ =	shalt  }
0x81: {  	_ =	shalt  }
0x82: {  	_ =	shalt  }
0x83: {  	_ =	shalt  }
0x84: {  	_ =	shalt  }
0x85: {  	_ =	shalt  }
0x86: {  	_ =	shalt  }
0x87: {  	_ =	shalt  }
.Lfunc_end0:
.L_simem_size_0:
called_computation_lowered:
.L_overlay_start_0:
0x88: {  	s0 =	sld [smem:$0x3FD9]  }
0x89: {  	s1 =	sld [smem:$0x3FFE];
	_ =	sdelay $0x3  }
0x8a: {  	s0 =	sadd.s32 s1, s0  }
0x8b: {  	[smem:$0x3FC4] =	sst s0  }
0x8c: {  	_ = 	snop  }
0x8d: {  	s0 =	sld [smem:$0x3FC6]  }
0x8e: {  	s16 =	sld [smem:$0x3FD0];
	(tm) =	ssettm $0x1  }
0x8f: {  	s2 =	sld [smem:$0x3FFB];
	_ =	sdelay $0x3  }
0x90: {  	_ =	strace s2  }
0x91: {  	s2 =	sld [smem:$0x3FFC];
	_ =	sdelay $0x3  }
0x92: {  	_ =	strace s2  }
0x93: {  	s2 =	sld [smem:$0x3FFD];
	_ =	sdelay $0x3  }
0x94: {  	_ =	strace s2  }
0x95: {  	_ =	strace $0x8FFFFFFF  }
0x96: {  	s17 =	sld [smem:$0x3FDB];
	_ =	sdelay $0x1  }
0x97: {  	s3 =	simm.s32 $_scs_section_size  }
0x98: {  	s4 =	simm.s32 $_size__tile_overlayer_lowered;
	s5 =	simm.s32 $_tile_overlayer_lowered  }
0x99: {  	s20 =	simm.s32 $0x1BFF;
	s19 =	sshll.u32 s5, $0x1;
	s2 =	sadd.s32 s3, s17  }
0x9a: {  	s6 =	simm.s32 $0x0;
	s18 =	sshll.u32 s4, $0x1;
	s4 =	sadd.s32 s19, s2  }
0x9b: {  	[timem:s6], [sflag:s20] =	dma.local [hbm:s4], s18  }
0x9c: {  	_ =	swait.ge [sflag:s20], s18  }
0x9d: {  	s3 =	ssub.s32 $0x0, s18;
	[sflag:s20] =	ssyncset.done $0x0  }
0x9e: {  	[sflag:s20] =	ssyncadd.s32 s3;
	_ =	sdelay $0x1  }
0x9f: {  	s21 =	simm.s32 $0x1B8B  }
0xa0: {  	_ =	swait.ge [sflag:s21], $0x1  }
0xa1: {  	[sflag:s21] =	ssyncset.done $0x0  }
0xa2: {  	s23 =	simm.s32 $0x1B8E;
	s22 =	sld [smem:$0x3FFE];
	[sflag:s21] =	ssyncadd.s32 $0xFFFFFFFF  }
0xa3: {  	s24 =	simm.s32 $execute0_lowered;
	[smem:$0x3FD2] =	sst s23  }
0xa4: {  	s4 =	sshll.u32 s24, $0x1;
	_ =	strace $0x80000046;
	[dreg:$0x1] =	wrdreg $0xFFFFFFFF  }
0xa5: {  	s25 =	simm.s32 $_size_execute0_lowered;
	s2 =	sadd.s32 s2, s4;
	[dreg:$0x0] =	wrdreg $0x0  }
0xa6: {  	s4 =	sshll.u32 s25, $0x1;
	[dreg:$0x2] =	wrdreg s2  }
0xa7: {  	[dreg:$0x3] =	wrdreg s4  }
0xa8: {  	[dreg:$0x4] =	wrdreg $0xC0  }
0xa9: {  	_ =	task [dreg:s6], $0x5FFFF  }
0xaa: {  	[dreg:$0x1] =	wrdreg $0xFFFFFFFF  }
0xab: {  	[dreg:$0x0] =	wrdreg $0x60  }
0xac: {  	[dreg:$0x2] =	wrdreg s0  }
0xad: {  	[dreg:$0x3] =	wrdreg s16  }
0xae: {  	[dreg:$0x4] =	wrdreg s22  }
0xaf: {  	[dreg:$0x5] =	wrdreg $0x9  }
0xb0: {  	_ =	task.clear_ibuf [dreg:s6], $0x6FFFF;
	_ =	strace $0x90000046  }
0xb1: {  	s26 =	simm.s32 $0x9;
	_ =	strace $0x80000048  }
0xb2: {  	_ =	swait.ge [sflag:s26], $0x1  }
0xb3: {  	[sflag:s26] =	ssyncadd.s32 $0xFFFFFFFF  }
0xb4: {  	_ =	strace $0x90000048  }
0xb5: {  	_ =	sfence  }
0xb6: {  	s28 =	sld [smem:$0x0];
	_ =	sdelay $0x1  }
0xb7: {  	s29 =	srdreg.scid  }
0xb8: {  	s30 =	sshll.u32 s29, $0xD;
	s31 =	sshrl.u32 s29, $0x2  }
0xb9: {  	s1 =	sand.u32 $0x1, s29;
	s2 =	sand.u32 $0x4000, s30;
	s0 =	sadd.s32 s31, s28  }
0xba: {  	s1 =	sor.u32 s2, s1;
	s0 =	sshll.u32 s0, $0x11  }
0xbb: {  	s0 =	sor.u32 s0, s1  }
0xbc: {  	s0 =	sadd.s32 $0x8F2B, s0  }
0xbd: {  	[sflag:s0] =	ssyncadd.remote.s32 $0x1  }
0xbe: {  	_ =	sfence.sel $0xFFFF  }
0xbf: {  	[dreg:$0x0] =	wrdreg $0xFFFFFFFF;
	(pc) =	sbr.abs _section_cstart, $3  }
0xc0: {  	[dreg:$0x1] =	wrdreg $0xFFFFFFFF  }
0xc1: {  	_ =	task.clear_ibuf [dreg:s6], $0x2FFFF;
	_ =	strace $0x9FFFFFFF  }
0xc2: {  	(tm) =	ssettm $0x7FFFFFFF  }
0xc3: {  	_ =	shalt  }
tec
execute0_lowered:
.L_overlay_start_1:
0x0: {  	(tag) =	ssettag $0x1  }
0x1: {  	s2 =	rddreg [dreg:$0x0]  }
0x2: {  	s3 =	rddreg [dreg:$0x1]  }
0x3: {  	s4 =	rddreg [dreg:$0x2]  }
0x4: {  	s0 =	rddreg [dreg:$0x3];
	s1 =	stileid.u32  }
0x5: {  	_ =	strace $0x80000047;
	s6 =	simm.s32 $0x1;
	s7 =	simm.s32 $0x500  }
0x6: {  	s9 =	simm.s32 $0x1;
	s10 =	simm.s32 $0x3;
	s5 =	smul.u32 $0x50, s1  }
0x7: {  	s13 =	simm.s32 $0x0;
	s12 =	simm.s32 $0x0;
	p0 =	slt.u32 s1, $0xA  }
.Ltmp0:
0x8: {  	s7 =	simm.s32 @!p0 $0x0;
	s8 =	ssub.s32 $0x7D0, s5;
	(pc) =	sbr.rel .LBB2_1-.Ltmp0, $4  }
0x9: {  	s9 =	simm.s32 @!p0 $0x0;
	p0 =	sne.s32 s8, s7;
	s8 =	simm.s32 $0x1  }
0xa: {  	[sflag:s6] =	ssyncpa.u1 $0x0;
	s7 =	simm.s32 $0x2;
	s8 =	simm.s32 @!p0 $0x0  }
0xb: {  	s11 =	smov.u32 s5;
	[sflag:s7] =	ssyncpa.u1 $0x0;
	s8 =	sadd.s32 s9, s8  }
0xc: {  	vm0 =	vmmov $0xffff;
	[sflag:s10] =	ssyncpa.u1 $0x0;
	s10 =	simm.s32 $0x0;
	s9 =	sadd.s32 $0x1, s8  }
.LBB2_4:
0xd: {  	v2 =	vnsel vm1, $0x0, v2  }
0xe: {  	vm1 =	vgt.s32 v0, $0x0;
	v2 =	vmin.u32 v2, $0x4E1F  }
0xf: {  	v0 =	vnsel vm1, $0x0, v0  }
0x10: {  	v0 =	vmin.u32 v0, $0x4E1F  }
0x11: {  	[tilespmem:s18], [sflag:$0x1] =	stream.indirect_vreg.gather [hbm4b:s2+s10], $0x1, v1, vm0, $0x4038;
	[tilespmem:$0x140] =	vst v63  }
0x12: {  	(ifvalue) =	ssetifvalue $0x7FFFFFFF  }
0x13: {  	[tilespmem:s15], [sflag:$0x1] =	stream.indirect_vreg.gather [hbm4b:s2+s10], $0x1, v2, vm0, $0x4038;
	[tilespmem:$0x140] =	vst v63  }
0x14: {  	s29 =	sadd.s32 $0x10, s15;
	(ifvalue) =	ssetifvalue $0x7FFFFFFF  }
0x15: {  	[tilespmem:s29], [sflag:$0x1] =	stream.indirect_vreg.gather [hbm4b:s2+s10], $0x1, v0, vm0, $0x4038;
	[tilespmem:$0x140] =	vst v63  }
0x16: {  	_ =	swait.ge [sflag:s6], $0x50  }
0x17: {  	s30 =	sshrl.u32 s13, $0x3;
	[sflag:s6] =	ssyncset.done $0x0  }
0x18: {  	s31 =	sand.u32 $0x7, s13;
	s15 =	sadd.s32 s4, s30;
	[sflag:s6] =	ssyncadd.s32 $0xFFFFFFB0  }
0x19: {  	[hbm4b:s15+s31] =	stream.linear.scatter [tilespmem:s14], [sflag:$0x3], $0x50, $0x38;
	[tilespmem:$0x140] =	vst v63  }
.LBB2_5:
0x1a: {  	s15 =	sadd.s32 $0x500, s11  }
0x1b: {  	p1 =	sgt.s32 s15, $0x7CF  }
0x1c: {  	s15 =	smov.u32 @p1 s5;
	p1 =	sne.s32 s12, s9  }
.Ltmp1:
0x1d: {  	p0 =	slt.u32 s12, $0x2;
	(pc) =	sbr.rel @!p1 .LBB2_6-.Ltmp1, $4  }
0x1e: {  	s14 =	simm.s32 @!p0 $0x3  }
0x1f: {  	_ =	swait.ge @!p0 [sflag:s14], $0x50  }
0x20: {  	s16 =	sadd.s32 $0x1, s12;
	s13 =	smov.u32 s11;
	[sflag:s14] =	ssyncset.done @!p0 $0x0  }
0x21: {  	s12 =	smov.u32 s16;
	s11 =	smov.u32 s15;
	[sflag:s14] =	ssyncadd.s32 @!p0 $0xFFFFFFB0  }
.LBB2_1:
0x22: {  	p0 =	sge.u32 s12, s8  }
0x23: {  	s14 =	sxor.u32 @!p0 $0x1, s12  }
0x24: {  	s14 =	smul.u32 @!p0 $0x140, s14  }
0x25: {  	s31 =	sadd.s32 $0xFFFFFFFF, s12;
	s15 =	sshrl.u32 @!p0 s11, $0x3  }
0x26: {  	s16 =	sand.u32 @!p0 $0x7, s11;
	s15 =	sadd.s32 @!p0 s3, s15;
	s14 =	sshra.s32 @!p0 s14, $0x2  }
0x27: {  	[tilespmem:s14], [sflag:$0x2] =	stream.linear.gather @!p0 [hbm4b:s15+s16], $0x50, $0x38;
	[tilespmem:$0x140] =	vst v63  }
0x28: {  	p0 =	sge.u32 s31, s8  }
.Ltmp2:
0x29: {  	_ = 	snop;
	(pc) =	sbr.rel @p0 .LBB2_5-.Ltmp2, $1  }
0x2a: {  	_ =	sdelay $0x3  }
0x2b: {  	s14 =	sand.u32 $0x1, s12  }
0x2c: {  	_ =	swait.ge [sflag:s7], $0x50;
	p0 =	seq.s32 s14, $0x1;
	s14 =	simm.s32 $0x50  }
0x2d: {  	[sflag:s7] =	ssyncset.done $0x0;
	s14 =	simm.s32 @!p0 $0x0  }
0x2e: {  	[sflag:s7] =	ssyncadd.s32 $0xFFFFFFB0;
	(ifvalue) =	ssetifvalue $0x7FFFFFFF;
	v0 =	vld.msk [tilespmem:s14+$0x0 ss:$0x1], $0xffff;
	_ =	sdelay $0x4  }
0x2f: {  	s15 =	sadd.s32 $0x10, s14;
	vm1 =	vgt.s32 v0, $0x0  }
0x30: {  	v2 =	vld.msk [tilespmem:s15+$0x0 ss:$0x1], $0xffff;
	v1 =	vnsel vm1, $0x0, v0  }
0x31: {  	v1 =	vmin.u32 v1, $0x4E1F;
	_ =	sdelay $0x2  }
0x32: {  	s17 =	simm.s32 $0x20;
	s14 =	sor.u32 $0xA0, s14;
	s16 =	sadd.s32 $0x10, s15  }
0x33: {  	s15 =	sadd.s32 $0x10, s14;
	s18 =	smov.u32 s14;
	v0 =	vld.msk [tilespmem:s16+$0x0 ss:$0x1], $0xffff;
	vm1 =	vgt.s32 v2, $0x0;
	(ifvalue) =	ssetifvalue $0x7FFFFFFF  }
.LBB2_3:
0x34: {  	[tilespmem:s18], [sflag:$0x1] =	stream.indirect_vreg.gather [hbm4b:s2+s10], $0x1, v1, vm0, $0x4038;
	[tilespmem:$0x140] =	vst v63  }
0x35: {  	s17 =	sadd.s32 $0x10, s17  }
0x36: {  	v2 =	vnsel vm1, $0x0, v2;
	p0 =	slt.u32 s17, $0x40  }
.Ltmp3:
0x37: {  	s18 =	smov.u32 s15;
	v1 =	vmin.u32 v2, $0x4E1F;
	(pc) =	sbr.rel @p0 .LBB2_3-.Ltmp3, $3  }
0x38: {  	_ =	sdelay $0x1  }
0x39: {  	s16 =	sadd.s32 $0x10, s16  }
0x3a: {  	vm1 =	vgt.s32 v0, $0x0;
	s15 =	sadd.s32 $0x10, s15;
	v2 =	vmov v0;
	(ifvalue) =	ssetifvalue $0x7FFFFFFF;
	v0 =	vld.msk [tilespmem:s16+$0x0 ss:$0x1], $0xffff  }
.Ltmp4:
0x3b: {  	_ = 	snop;
	(pc) =	sbr.rel .LBB2_4-.Ltmp4, $1  }
0x3c: {  	_ =	sdelay $0x3  }
.LBB2_6:
0x3d: {  	_ =	sfence.sel $0x180000  }
0x3e: {  	s2 =	simm.s32 $0x2;
	[bflag:$0x0] =	sbarrier.arrive $0xFFFF  }
0x3f: {  	s30 =	simm.s32 $0x3;
	[sflag:s2] =	ssyncpa.u1 $0x1  }
0x40: {  	s31 =	simm.s32 $0x1;
	[sflag:s30] =	ssyncpa.u1 $0x1  }
0x41: {  	[sflag:s31] =	ssyncpa.u1 $0x1  }
0x42: {  	p0 =	sne.s32 s1, $0x0;
	_ =	strace $0x90000047  }
0x43: {  	s0 =	sadd.s32 @!p0 $0x100000, s0;
	[bflag:$0x2] =	sbarrier.arrive $0xFFFF  }
0x44: {  	[sflag:s0] =	ssyncadd.tile.s32 @!p0 $0x1;
	_ =	shalt  }
.Lfunc_end2:
_tile_overlayer_lowered:
.L_overlay_start_2:
0x45: {  	(tag) =	ssettag $0x2  }
0x46: {  	s0 =	rddreg [dreg:$0x0];
	s2 =	stileid.u32  }
0x47: {  	s1 =	rddreg [dreg:$0x1];
	p0 =	sne.s32 s2, $0x0  }
0x48: {  	s3 =	rddreg [dreg:$0x2];
	[bflag:$0x3] =	sbarrier.arrive $0xFFFF;
	s2 =	simm.s32 @!p0 $0x1C01  }
0x49: {  	[timem:s3], [sflag:s2] =	dma.local @!p0 [hbm:s0], s1  }
0x4a: {  	s0 =	simm.s32 @!p0 $0x1  }
0x4b: {  	_ =	swait.ge @!p0 [sflag:s0], s1  }
0x4c: {  	s1 =	ssub.s32 @!p0 $0x0, s1;
	[sflag:s0] =	ssyncset.done @!p0 $0x0  }
0x4d: {  	[sflag:s0] =	ssyncadd.s32 @!p0 s1  }
0x4e: {  	[bflag:$0x3] =	sbarrier.arrive $0xFFFF  }
0x4f: {  	_ =	shalt  }

</sc_bundles>
